<compile_context>
chip_gen: v7x
topology: tpu7x:2x2x1
jax: 0.10.2.dev20260603
libtpu: 0.0.44.dev20260713+nightly
codegen_flags: <defaults>
</compile_context>

<pallas_src>
import functools

import jax
import jax.numpy as jnp
from jax import lax
from jax.experimental import pallas as pl
from jax.experimental.pallas import tpu as pltpu
from jax.experimental.pallas import tpu_sc as plsc

_VOCAB = 49408
_DIM = 1280
_NIDX = 16
_NW = 32
_CHUNK = 32
_NCHUNKS = _VOCAB // _CHUNK
_NSTAGE = 2 * ((_NCHUNKS + 2 * _NW - 1) // (2 * _NW))


def _sc_body(
    emb_hbm, tok_hbm, idx_hbm, out_hbm,
    idx_v, tok_v, buf0, buf1, in0, in1, out0, out1,
):
    c = lax.axis_index("c")
    s = lax.axis_index("s")
    wid = s * 2 + c

    pltpu.sync_copy(idx_hbm, idx_v)
    pltpu.sync_copy(tok_hbm, tok_v)
    iv = idx_v[...]
    idx_s = [iv[i] for i in range(_NIDX)]

    def start_in(j, buf, sem):
        k = wid + j * _NW
        pltpu.async_copy(emb_hbm.at[pl.ds(k * _CHUNK, _CHUNK)], buf, sem)

    def stage(j, buf, in_sem, out_sem):
        k = wid + j * _NW

        @pl.when(k < _NCHUNKS)
        def _():
            base = k * _CHUNK
            pltpu.make_async_copy(
                emb_hbm.at[pl.ds(base, _CHUNK)], buf, in_sem
            ).wait()
            for i in range(_NIDX):
                local = idx_s[i] - base

                @pl.when(
                    jnp.logical_and(idx_s[i] >= base, idx_s[i] < base + _CHUNK)
                )
                def _(i=i, local=local):
                    def _add(d, c2):
                        buf[local, pl.ds(d * 16, 16)] = (
                            buf[local, pl.ds(d * 16, 16)]
                            + tok_v[i, pl.ds(d * 16, 16)]
                        )
                        return c2

                    lax.fori_loop(0, _DIM // 16, _add, 0)

            pltpu.async_copy(buf, out_hbm.at[pl.ds(base, _CHUNK)], out_sem)

        k2 = wid + (j + 2) * _NW

        @pl.when(k2 < _NCHUNKS)
        def _():
            pltpu.make_async_copy(
                buf, out_hbm.at[pl.ds(k * _CHUNK, _CHUNK)], out_sem
            ).wait()
            start_in(j + 2, buf, in_sem)

    start_in(0, buf0, in0)
    start_in(1, buf1, in1)

    def group(g, carry):
        stage(2 * g, buf0, in0, out0)
        stage(2 * g + 1, buf1, in1, out1)
        return carry

    lax.fori_loop(0, _NSTAGE // 2, group, 0)

    pltpu.make_async_copy(emb_hbm.at[pl.ds(0, _CHUNK)], buf0, out0).wait()
    pltpu.make_async_copy(emb_hbm.at[pl.ds(0, _CHUNK)], buf1, out1).wait()


def kernel(embeddings, token_embeddings, indices):
    mesh = plsc.VectorSubcoreMesh(core_axis_name="c", subcore_axis_name="s")
    run = functools.partial(
        pl.kernel,
        out_type=jax.ShapeDtypeStruct((_VOCAB, _DIM), jnp.float32),
        mesh=mesh,
        scratch_types=[
            pltpu.VMEM((_NIDX,), jnp.int32),
            pltpu.VMEM((_NIDX, _DIM), jnp.float32),
            pltpu.VMEM((_CHUNK, _DIM), jnp.float32),
            pltpu.VMEM((_CHUNK, _DIM), jnp.float32),
            pltpu.SemaphoreType.DMA,
            pltpu.SemaphoreType.DMA,
            pltpu.SemaphoreType.DMA,
            pltpu.SemaphoreType.DMA,
        ],
    )(_sc_body)
    return run(embeddings, token_embeddings, indices)

# --- scband reference (transcript-rebuilt; emitter-appended) ---
"""Pipeline reference for scband-re-token-11038065951515 (READ-ONLY COPY).

The authoritative reference and input builder live on the scoring server;
editing this copy changes nothing except your own understanding.
"""

import jax, jax.numpy as jnp
import numpy as np

INDICES = (49152, 49201, 48000, 1234, 777, 4096, 32000, 15000, 9999, 27500, 31337, 45678, 12345, 2048, 8192, 40960)
VOCAB = 49408
DIM = 1280


def setup_inputs(seed: int = 0) -> dict:
    key = jax.random.key(seed)
    k1, k2 = jax.random.split(key)
    embeddings = jax.random.normal(k1, (VOCAB, DIM), dtype=jnp.float32)
    # learned per-slot embeddings (nn.Parameter of shape [len(indices), 1280]);
    # initialized randomly (instead of torch's zeros) so the op is observable
    token_embeddings = jax.random.normal(k2, (len(INDICES), DIM), dtype=jnp.float32) * 0.02
    indices = jnp.array(INDICES, dtype=jnp.int32)
    return {"embeddings": embeddings, "token_embeddings": token_embeddings, "indices": indices}


def reference(embeddings, token_embeddings, indices):
    # torch: embeddings = embeddings.clone(); for i, idx in enumerate(self.indices): embeddings[idx] += self.embeddings[i]
    # Sequential += over rows is exactly a scatter-add (handles duplicates identically).
    out = embeddings.at[indices].add(token_embeddings)
    return out

if __name__ == "__main__":
    import jax
    _d = setup_inputs()
    print(jax.jit(kernel)(*tuple(_d.values())))

</pallas_src>

<mosaic_0001>
#map = affine_map<(d0, d1) -> (0, 0)>
#map1 = affine_map<(d0, d1) -> (0)>
module attributes {stable_mosaic.version = 14 : i64} {
  func.func @_sc_body(%arg0: i32, %arg1: i32, %arg2: memref<49408x1280xf32, #tpu.memory_space<hbm>>, %arg3: memref<16x1280xf32, #tpu.memory_space<hbm>>, %arg4: memref<16xi32, #tpu.memory_space<hbm>>, %arg5: memref<49408x1280xf32, #tpu.memory_space<hbm>>, %arg6: memref<16xi32, #tpu.memory_space<vmem>>, %arg7: memref<16x1280xf32, #tpu.memory_space<vmem>>, %arg8: memref<32x1280xf32, #tpu.memory_space<vmem>>, %arg9: memref<32x1280xf32, #tpu.memory_space<vmem>>, %arg10: memref<!tpu.dma_semaphore, #tpu.memory_space<semaphore_mem>>, %arg11: memref<!tpu.dma_semaphore, #tpu.memory_space<semaphore_mem>>, %arg12: memref<!tpu.dma_semaphore, #tpu.memory_space<semaphore_mem>>, %arg13: memref<!tpu.dma_semaphore, #tpu.memory_space<semaphore_mem>>) attributes {dimension_semantics = [#tpu.dimension_semantics<core_parallel>, #tpu.dimension_semantics<subcore_parallel>], iteration_bounds = array<i64: 2, 16>, scalar_prefetch = 0 : i64, scratch_operands = 8 : i64, tpu.core_type = #tpu.core_type<sc_vector_subcore>, window_params = [{transform_indices = #map}, {transform_indices = #map}, {transform_indices = #map1}, {transform_indices = #map}]} {
    %mul3A = arith.constant 2 : i32
    %mul3A_0 = arith.muli %arg1, %mul3A : i32
    %add3A = arith.addi %mul3A_0, %arg0 : i32
    "tpu.region"() ({
      %run_scoped3A = tpu.sem_alloc : memref<!tpu.dma_semaphore, #tpu.memory_space<semaphore_mem>>
      tpu.enqueue_dma source(%arg4 : memref<16xi32, #tpu.memory_space<hbm>>) target(%arg6 : memref<16xi32, #tpu.memory_space<vmem>>) target_semaphore(%run_scoped3A : memref<!tpu.dma_semaphore, #tpu.memory_space<semaphore_mem>>)
      tpu.wait_dma2 semaphore(%run_scoped3A : memref<!tpu.dma_semaphore, #tpu.memory_space<semaphore_mem>>) src(%arg4 : memref<16xi32, #tpu.memory_space<hbm>>) dst(%arg6 : memref<16xi32, #tpu.memory_space<vmem>>)
      tpu.yield
    }) : () -> ()
    "tpu.region"() ({
      %run_scoped3A = tpu.sem_alloc : memref<!tpu.dma_semaphore, #tpu.memory_space<semaphore_mem>>
      tpu.enqueue_dma source(%arg3 : memref<16x1280xf32, #tpu.memory_space<hbm>>) target(%arg7 : memref<16x1280xf32, #tpu.memory_space<vmem>>) target_semaphore(%run_scoped3A : memref<!tpu.dma_semaphore, #tpu.memory_space<semaphore_mem>>)
      tpu.wait_dma2 semaphore(%run_scoped3A : memref<!tpu.dma_semaphore, #tpu.memory_space<semaphore_mem>>) src(%arg3 : memref<16x1280xf32, #tpu.memory_space<hbm>>) dst(%arg7 : memref<16x1280xf32, #tpu.memory_space<vmem>>)
      tpu.yield
    }) : () -> ()
    %get3A = arith.constant 0 : index
    %get3A_1 = tpu.vector_load %arg6[%get3A] {strides = array<i32>} : memref<16xi32, #tpu.memory_space<vmem>>, vector<16xi32>,
    %get3A_2 = vector.shape_cast %get3A_1 : vector<16xi32> to vector<16xi32>
    %slice3A = vector.extract_strided_slice %get3A_2 {offsets = [0], sizes = [1], strides = [1]} : vector<16xi32> to vector<1xi32>
    %squeeze3A = vector.extract %slice3A[0] : i32 from vector<1xi32>
    %slice3A_3 = vector.extract_strided_slice %get3A_2 {offsets = [1], sizes = [1], strides = [1]} : vector<16xi32> to vector<1xi32>
    %squeeze3A_4 = vector.extract %slice3A_3[0] : i32 from vector<1xi32>
    %slice3A_5 = vector.extract_strided_slice %get3A_2 {offsets = [2], sizes = [1], strides = [1]} : vector<16xi32> to vector<1xi32>
    %squeeze3A_6 = vector.extract %slice3A_5[0] : i32 from vector<1xi32>
    %slice3A_7 = vector.extract_strided_slice %get3A_2 {offsets = [3], sizes = [1], strides = [1]} : vector<16xi32> to vector<1xi32>
    %squeeze3A_8 = vector.extract %slice3A_7[0] : i32 from vector<1xi32>
    %slice3A_9 = vector.extract_strided_slice %get3A_2 {offsets = [4], sizes = [1], strides = [1]} : vector<16xi32> to vector<1xi32>
    %squeeze3A_10 = vector.extract %slice3A_9[0] : i32 from vector<1xi32>
    %slice3A_11 = vector.extract_strided_slice %get3A_2 {offsets = [5], sizes = [1], strides = [1]} : vector<16xi32> to vector<1xi32>
    %squeeze3A_12 = vector.extract %slice3A_11[0] : i32 from vector<1xi32>
    %slice3A_13 = vector.extract_strided_slice %get3A_2 {offsets = [6], sizes = [1], strides = [1]} : vector<16xi32> to vector<1xi32>
    %squeeze3A_14 = vector.extract %slice3A_13[0] : i32 from vector<1xi32>
    %slice3A_15 = vector.extract_strided_slice %get3A_2 {offsets = [7], sizes = [1], strides = [1]} : vector<16xi32> to vector<1xi32>
    %squeeze3A_16 = vector.extract %slice3A_15[0] : i32 from vector<1xi32>
    %slice3A_17 = vector.extract_strided_slice %get3A_2 {offsets = [8], sizes = [1], strides = [1]} : vector<16xi32> to vector<1xi32>
    %squeeze3A_18 = vector.extract %slice3A_17[0] : i32 from vector<1xi32>
    %slice3A_19 = vector.extract_strided_slice %get3A_2 {offsets = [9], sizes = [1], strides = [1]} : vector<16xi32> to vector<1xi32>
    %squeeze3A_20 = vector.extract %slice3A_19[0] : i32 from vector<1xi32>
    %slice3A_21 = vector.extract_strided_slice %get3A_2 {offsets = [10], sizes = [1], strides = [1]} : vector<16xi32> to vector<1xi32>
    %squeeze3A_22 = vector.extract %slice3A_21[0] : i32 from vector<1xi32>
    %slice3A_23 = vector.extract_strided_slice %get3A_2 {offsets = [11], sizes = [1], strides = [1]} : vector<16xi32> to vector<1xi32>
    %squeeze3A_24 = vector.extract %slice3A_23[0] : i32 from vector<1xi32>
    %slice3A_25 = vector.extract_strided_slice %get3A_2 {offsets = [12], sizes = [1], strides = [1]} : vector<16xi32> to vector<1xi32>
    %squeeze3A_26 = vector.extract %slice3A_25[0] : i32 from vector<1xi32>
    %slice3A_27 = vector.extract_strided_slice %get3A_2 {offsets = [13], sizes = [1], strides = [1]} : vector<16xi32> to vector<1xi32>
    %squeeze3A_28 = vector.extract %slice3A_27[0] : i32 from vector<1xi32>
    %slice3A_29 = vector.extract_strided_slice %get3A_2 {offsets = [14], sizes = [1], strides = [1]} : vector<16xi32> to vector<1xi32>
    %squeeze3A_30 = vector.extract %slice3A_29[0] : i32 from vector<1xi32>
    %slice3A_31 = vector.extract_strided_slice %get3A_2 {offsets = [15], sizes = [1], strides = [1]} : vector<16xi32> to vector<1xi32>
    %squeeze3A_32 = vector.extract %slice3A_31[0] : i32 from vector<1xi32>
    %add3A_33 = arith.constant 0 : i32
    %add3A_34 = arith.addi %add3A, %add3A_33 : i32
    %mul3A_35 = arith.constant 32 : i32
    %mul3A_36 = arith.muli %add3A_34, %mul3A_35 : i32
    %dma_start3A = arith.constant 0 : i32
    %dma_start3A_37 = tpu.memref_slice %arg2[%mul3A_36, %dma_start3A] : memref<49408x1280xf32, #tpu.memory_space<hbm>> -> memref<32x1280xf32, #tpu.memory_space<hbm>>
    %dma_start3A_38 = arith.constant 0 : i32
    %dma_start3A_39 = tpu.memref_slice %arg2[%mul3A_36, %dma_start3A_38] : memref<49408x1280xf32, #tpu.memory_space<hbm>> -> memref<32x1280xf32, #tpu.memory_space<hbm>>
    tpu.enqueue_dma source(%dma_start3A_39 : memref<32x1280xf32, #tpu.memory_space<hbm>>) target(%arg8 : memref<32x1280xf32, #tpu.memory_space<vmem>>) target_semaphore(%arg10 : memref<!tpu.dma_semaphore, #tpu.memory_space<semaphore_mem>>)
    %add3A_40 = arith.constant 32 : i32
    %add3A_41 = arith.addi %add3A, %add3A_40 : i32
    %mul3A_42 = arith.constant 32 : i32
    %mul3A_43 = arith.muli %add3A_41, %mul3A_42 : i32
    %dma_start3A_44 = arith.constant 0 : i32
    %dma_start3A_45 = tpu.memref_slice %arg2[%mul3A_43, %dma_start3A_44] : memref<49408x1280xf32, #tpu.memory_space<hbm>> -> memref<32x1280xf32, #tpu.memory_space<hbm>>
    %dma_start3A_46 = arith.constant 0 : i32
    %dma_start3A_47 = tpu.memref_slice %arg2[%mul3A_43, %dma_start3A_46] : memref<49408x1280xf32, #tpu.memory_space<hbm>> -> memref<32x1280xf32, #tpu.memory_space<hbm>>
    tpu.enqueue_dma source(%dma_start3A_47 : memref<32x1280xf32, #tpu.memory_space<hbm>>) target(%arg9 : memref<32x1280xf32, #tpu.memory_space<vmem>>) target_semaphore(%arg11 : memref<!tpu.dma_semaphore, #tpu.memory_space<semaphore_mem>>)
    %scan3A = arith.constant 0 : i32
    %scan3A_48 = arith.constant 0 : i32
    %scan3A_49 = arith.constant 25 : i32
    %scan3A_50 = arith.addi %scan3A_48, %scan3A_49 : i32
    %scan3A_51 = arith.constant 1 : i32
    scf.for %scan3A_64 = %scan3A_48 to %scan3A_50 step %scan3A_51  : i32 {
      %mul3A_65 = arith.constant 2 : i32
      %mul3A_66 = arith.muli %mul3A_65, %scan3A_64 : i32
      %mul3A_67 = arith.constant 32 : i32
      %mul3A_68 = arith.muli %mul3A_66, %mul3A_67 : i32
      %add3A_69 = arith.addi %add3A, %mul3A_68 : i32
      %lt3A = arith.constant 1544 : i32
      %lt3A_70 = arith.cmpi slt, %add3A_69, %lt3A : i32
      %convert_element_type3A = arith.extui %lt3A_70 : i1 to i32
      %cond3A = arith.constant 0 : i32
      %cond3A_71 = arith.cmpi ne, %convert_element_type3A, %cond3A : i32
      scf.if %cond3A_71 {
        %mul3A_104 = arith.constant 32 : i32
        %mul3A_105 = arith.muli %add3A_69, %mul3A_104 : i32
        %dma_wait3A_106 = arith.constant 0 : i32
        %dma_wait3A_107 = tpu.memref_slice %arg2[%mul3A_105, %dma_wait3A_106] : memref<49408x1280xf32, #tpu.memory_space<hbm>> -> memref<32x1280xf32, #tpu.memory_space<hbm>>
        %dma_wait3A_108 = arith.constant 0 : i32
        %dma_wait3A_109 = tpu.memref_slice %arg2[%mul3A_105, %dma_wait3A_108] : memref<49408x1280xf32, #tpu.memory_space<hbm>> -> memref<32x1280xf32, #tpu.memory_space<hbm>>
        tpu.wait_dma2 semaphore(%arg10 : memref<!tpu.dma_semaphore, #tpu.memory_space<semaphore_mem>>) src(%dma_wait3A_109 : memref<32x1280xf32, #tpu.memory_space<hbm>>) dst(%arg8 : memref<32x1280xf32, #tpu.memory_space<vmem>>)
        %sub3A = arith.subi %squeeze3A, %mul3A_105 : i32
        %ge3A = arith.cmpi sge, %squeeze3A, %mul3A_105 : i32
        %add3A_110 = arith.constant 32 : i32
        %add3A_111 = arith.addi %mul3A_105, %add3A_110 : i32
        %lt3A_112 = arith.cmpi slt, %squeeze3A, %add3A_111 : i32
        %and3A = arith.andi %ge3A, %lt3A_112 : i1
        %convert_element_type3A_113 = arith.extui %and3A : i1 to i32
        %cond3A_114 = arith.constant 0 : i32
        %cond3A_115 = arith.cmpi ne, %convert_element_type3A_113, %cond3A_114 : i32
        scf.if %cond3A_115 {
          %scan3A_255 = arith.constant 0 : i32
          %scan3A_256 = arith.constant 0 : i32
          %scan3A_257 = arith.constant 80 : i32
          %scan3A_258 = arith.addi %scan3A_256, %scan3A_257 : i32
          %scan3A_259 = arith.constant 1 : i32
          scf.for %scan3A_261 = %scan3A_256 to %scan3A_258 step %scan3A_259  : i32 {
            %mul3A_262 = arith.constant 16 : i32
            %mul3A_263 = arith.muli %scan3A_261, %mul3A_262 : i32
            %get3A_264 = arith.index_cast %sub3A : i32 to index
            %get3A_265 = arith.index_cast %mul3A_263 : i32 to index
            %get3A_266 = tpu.vector_load %arg8[%get3A_264, %get3A_265] {strides = array<i32>} : memref<32x1280xf32, #tpu.memory_space<vmem>>, vector<1x16xf32>,
            %get3A_267 = vector.shape_cast %get3A_266 : vector<1x16xf32> to vector<16xf32>
            %mul3A_268 = arith.constant 16 : i32
            %mul3A_269 = arith.muli %scan3A_261, %mul3A_268 : i32
            %get3A_270 = arith.constant 0 : i32
            %get3A_271 = arith.index_cast %get3A_270 : i32 to index
            %get3A_272 = arith.index_cast %mul3A_269 : i32 to index
            %get3A_273 = tpu.vector_load %arg7[%get3A_271, %get3A_272] {strides = array<i32>} : memref<16x1280xf32, #tpu.memory_space<vmem>>, vector<1x16xf32>,
            %get3A_274 = vector.shape_cast %get3A_273 : vector<1x16xf32> to vector<16xf32>
            %add3A_275 = arith.addf %get3A_267, %get3A_274 : vector<16xf32>
            %mul3A_276 = arith.constant 16 : i32
            %mul3A_277 = arith.muli %scan3A_261, %mul3A_276 : i32
            %swap3A = arith.index_cast %sub3A : i32 to index
            %swap3A_278 = arith.index_cast %mul3A_277 : i32 to index
            %swap3A_279 = tpu.vector_load %arg8[%swap3A, %swap3A_278] {strides = array<i32>} : memref<32x1280xf32, #tpu.memory_space<vmem>>, vector<1x16xf32>,
            %swap3A_280 = vector.shape_cast %swap3A_279 : vector<1x16xf32> to vector<16xf32>
            %swap3A_281 = vector.shape_cast %add3A_275 : vector<16xf32> to vector<1x16xf32>
            tpu.vector_store %arg8[%swap3A, %swap3A_278], %swap3A_281 {strides = array<i32>} : memref<32x1280xf32, #tpu.memory_space<vmem>>, vector<1x16xf32>,
          }
          %scan3A_260 = arith.constant 80 : i32
        } else {
        }
        %sub3A_116 = arith.subi %squeeze3A_4, %mul3A_105 : i32
        %ge3A_117 = arith.cmpi sge, %squeeze3A_4, %mul3A_105 : i32
        %add3A_118 = arith.constant 32 : i32
        %add3A_119 = arith.addi %mul3A_105, %add3A_118 : i32
        %lt3A_120 = arith.cmpi slt, %squeeze3A_4, %add3A_119 : i32
        %and3A_121 = arith.andi %ge3A_117, %lt3A_120 : i1
        %convert_element_type3A_122 = arith.extui %and3A_121 : i1 to i32
        %cond3A_123 = arith.constant 0 : i32
        %cond3A_124 = arith.cmpi ne, %convert_element_type3A_122, %cond3A_123 : i32
        scf.if %cond3A_124 {
          %scan3A_255 = arith.constant 0 : i32
          %scan3A_256 = arith.constant 0 : i32
          %scan3A_257 = arith.constant 80 : i32
          %scan3A_258 = arith.addi %scan3A_256, %scan3A_257 : i32
          %scan3A_259 = arith.constant 1 : i32
          scf.for %scan3A_261 = %scan3A_256 to %scan3A_258 step %scan3A_259  : i32 {
            %mul3A_262 = arith.constant 16 : i32
            %mul3A_263 = arith.muli %scan3A_261, %mul3A_262 : i32
            %get3A_264 = arith.index_cast %sub3A_116 : i32 to index
            %get3A_265 = arith.index_cast %mul3A_263 : i32 to index
            %get3A_266 = tpu.vector_load %arg8[%get3A_264, %get3A_265] {strides = array<i32>} : memref<32x1280xf32, #tpu.memory_space<vmem>>, vector<1x16xf32>,
            %get3A_267 = vector.shape_cast %get3A_266 : vector<1x16xf32> to vector<16xf32>
            %mul3A_268 = arith.constant 16 : i32
            %mul3A_269 = arith.muli %scan3A_261, %mul3A_268 : i32
            %get3A_270 = arith.constant 1 : i32
            %get3A_271 = arith.index_cast %get3A_270 : i32 to index
            %get3A_272 = arith.index_cast %mul3A_269 : i32 to index
            %get3A_273 = tpu.vector_load %arg7[%get3A_271, %get3A_272] {strides = array<i32>} : memref<16x1280xf32, #tpu.memory_space<vmem>>, vector<1x16xf32>,
            %get3A_274 = vector.shape_cast %get3A_273 : vector<1x16xf32> to vector<16xf32>
            %add3A_275 = arith.addf %get3A_267, %get3A_274 : vector<16xf32>
            %mul3A_276 = arith.constant 16 : i32
            %mul3A_277 = arith.muli %scan3A_261, %mul3A_276 : i32
            %swap3A = arith.index_cast %sub3A_116 : i32 to index
            %swap3A_278 = arith.index_cast %mul3A_277 : i32 to index
            %swap3A_279 = tpu.vector_load %arg8[%swap3A, %swap3A_278] {strides = array<i32>} : memref<32x1280xf32, #tpu.memory_space<vmem>>, vector<1x16xf32>,
            %swap3A_280 = vector.shape_cast %swap3A_279 : vector<1x16xf32> to vector<16xf32>
            %swap3A_281 = vector.shape_cast %add3A_275 : vector<16xf32> to vector<1x16xf32>
            tpu.vector_store %arg8[%swap3A, %swap3A_278], %swap3A_281 {strides = array<i32>} : memref<32x1280xf32, #tpu.memory_space<vmem>>, vector<1x16xf32>,
          }
          %scan3A_260 = arith.constant 80 : i32
        } else {
        }
        %sub3A_125 = arith.subi %squeeze3A_6, %mul3A_105 : i32
        %ge3A_126 = arith.cmpi sge, %squeeze3A_6, %mul3A_105 : i32
        %add3A_127 = arith.constant 32 : i32
        %add3A_128 = arith.addi %mul3A_105, %add3A_127 : i32
        %lt3A_129 = arith.cmpi slt, %squeeze3A_6, %add3A_128 : i32
        %and3A_130 = arith.andi %ge3A_126, %lt3A_129 : i1
        %convert_element_type3A_131 = arith.extui %and3A_130 : i1 to i32
        %cond3A_132 = arith.constant 0 : i32
        %cond3A_133 = arith.cmpi ne, %convert_element_type3A_131, %cond3A_132 : i32
        scf.if %cond3A_133 {
          %scan3A_255 = arith.constant 0 : i32
          %scan3A_256 = arith.constant 0 : i32
          %scan3A_257 = arith.constant 80 : i32
          %scan3A_258 = arith.addi %scan3A_256, %scan3A_257 : i32
          %scan3A_259 = arith.constant 1 : i32
          scf.for %scan3A_261 = %scan3A_256 to %scan3A_258 step %scan3A_259  : i32 {
            %mul3A_262 = arith.constant 16 : i32
            %mul3A_263 = arith.muli %scan3A_261, %mul3A_262 : i32
            %get3A_264 = arith.index_cast %sub3A_125 : i32 to index
            %get3A_265 = arith.index_cast %mul3A_263 : i32 to index
            %get3A_266 = tpu.vector_load %arg8[%get3A_264, %get3A_265] {strides = array<i32>} : memref<32x1280xf32, #tpu.memory_space<vmem>>, vector<1x16xf32>,
            %get3A_267 = vector.shape_cast %get3A_266 : vector<1x16xf32> to vector<16xf32>
            %mul3A_268 = arith.constant 16 : i32
            %mul3A_269 = arith.muli %scan3A_261, %mul3A_268 : i32
            %get3A_270 = arith.constant 2 : i32
            %get3A_271 = arith.index_cast %get3A_270 : i32 to index
            %get3A_272 = arith.index_cast %mul3A_269 : i32 to index
            %get3A_273 = tpu.vector_load %arg7[%get3A_271, %get3A_272] {strides = array<i32>} : memref<16x1280xf32, #tpu.memory_space<vmem>>, vector<1x16xf32>,
            %get3A_274 = vector.shape_cast %get3A_273 : vector<1x16xf32> to vector<16xf32>
            %add3A_275 = arith.addf %get3A_267, %get3A_274 : vector<16xf32>
            %mul3A_276 = arith.constant 16 : i32
            %mul3A_277 = arith.muli %scan3A_261, %mul3A_276 : i32
            %swap3A = arith.index_cast %sub3A_125 : i32 to index
            %swap3A_278 = arith.index_cast %mul3A_277 : i32 to index
            %swap3A_279 = tpu.vector_load %arg8[%swap3A, %swap3A_278] {strides = array<i32>} : memref<32x1280xf32, #tpu.memory_space<vmem>>, vector<1x16xf32>,
            %swap3A_280 = vector.shape_cast %swap3A_279 : vector<1x16xf32> to vector<16xf32>
            %swap3A_281 = vector.shape_cast %add3A_275 : vector<16xf32> to vector<1x16xf32>
            tpu.vector_store %arg8[%swap3A, %swap3A_278], %swap3A_281 {strides = array<i32>} : memref<32x1280xf32, #tpu.memory_space<vmem>>, vector<1x16xf32>,
          }
          %scan3A_260 = arith.constant 80 : i32
        } else {
        }
        %sub3A_134 = arith.subi %squeeze3A_8, %mul3A_105 : i32
        %ge3A_135 = arith.cmpi sge, %squeeze3A_8, %mul3A_105 : i32
        %add3A_136 = arith.constant 32 : i32
        %add3A_137 = arith.addi %mul3A_105, %add3A_136 : i32
        %lt3A_138 = arith.cmpi slt, %squeeze3A_8, %add3A_137 : i32
        %and3A_139 = arith.andi %ge3A_135, %lt3A_138 : i1
        %convert_element_type3A_140 = arith.extui %and3A_139 : i1 to i32
        %cond3A_141 = arith.constant 0 : i32
        %cond3A_142 = arith.cmpi ne, %convert_element_type3A_140, %cond3A_141 : i32
        scf.if %cond3A_142 {
          %scan3A_255 = arith.constant 0 : i32
          %scan3A_256 = arith.constant 0 : i32
          %scan3A_257 = arith.constant 80 : i32
          %scan3A_258 = arith.addi %scan3A_256, %scan3A_257 : i32
          %scan3A_259 = arith.constant 1 : i32
          scf.for %scan3A_261 = %scan3A_256 to %scan3A_258 step %scan3A_259  : i32 {
            %mul3A_262 = arith.constant 16 : i32
            %mul3A_263 = arith.muli %scan3A_261, %mul3A_262 : i32
            %get3A_264 = arith.index_cast %sub3A_134 : i32 to index
            %get3A_265 = arith.index_cast %mul3A_263 : i32 to index
            %get3A_266 = tpu.vector_load %arg8[%get3A_264, %get3A_265] {strides = array<i32>} : memref<32x1280xf32, #tpu.memory_space<vmem>>, vector<1x16xf32>,
            %get3A_267 = vector.shape_cast %get3A_266 : vector<1x16xf32> to vector<16xf32>
            %mul3A_268 = arith.constant 16 : i32
            %mul3A_269 = arith.muli %scan3A_261, %mul3A_268 : i32
            %get3A_270 = arith.constant 3 : i32
            %get3A_271 = arith.index_cast %get3A_270 : i32 to index
            %get3A_272 = arith.index_cast %mul3A_269 : i32 to index
            %get3A_273 = tpu.vector_load %arg7[%get3A_271, %get3A_272] {strides = array<i32>} : memref<16x1280xf32, #tpu.memory_space<vmem>>, vector<1x16xf32>,
            %get3A_274 = vector.shape_cast %get3A_273 : vector<1x16xf32> to vector<16xf32>
            %add3A_275 = arith.addf %get3A_267, %get3A_274 : vector<16xf32>
            %mul3A_276 = arith.constant 16 : i32
            %mul3A_277 = arith.muli %scan3A_261, %mul3A_276 : i32
            %swap3A = arith.index_cast %sub3A_134 : i32 to index
            %swap3A_278 = arith.index_cast %mul3A_277 : i32 to index
            %swap3A_279 = tpu.vector_load %arg8[%swap3A, %swap3A_278] {strides = array<i32>} : memref<32x1280xf32, #tpu.memory_space<vmem>>, vector<1x16xf32>,
            %swap3A_280 = vector.shape_cast %swap3A_279 : vector<1x16xf32> to vector<16xf32>
            %swap3A_281 = vector.shape_cast %add3A_275 : vector<16xf32> to vector<1x16xf32>
            tpu.vector_store %arg8[%swap3A, %swap3A_278], %swap3A_281 {strides = array<i32>} : memref<32x1280xf32, #tpu.memory_space<vmem>>, vector<1x16xf32>,
          }
          %scan3A_260 = arith.constant 80 : i32
        } else {
        }
        %sub3A_143 = arith.subi %squeeze3A_10, %mul3A_105 : i32
        %ge3A_144 = arith.cmpi sge, %squeeze3A_10, %mul3A_105 : i32
        %add3A_145 = arith.constant 32 : i32
        %add3A_146 = arith.addi %mul3A_105, %add3A_145 : i32
        %lt3A_147 = arith.cmpi slt, %squeeze3A_10, %add3A_146 : i32
        %and3A_148 = arith.andi %ge3A_144, %lt3A_147 : i1
        %convert_element_type3A_149 = arith.extui %and3A_148 : i1 to i32
        %cond3A_150 = arith.constant 0 : i32
        %cond3A_151 = arith.cmpi ne, %convert_element_type3A_149, %cond3A_150 : i32
        scf.if %cond3A_151 {
          %scan3A_255 = arith.constant 0 : i32
          %scan3A_256 = arith.constant 0 : i32
          %scan3A_257 = arith.constant 80 : i32
          %scan3A_258 = arith.addi %scan3A_256, %scan3A_257 : i32
          %scan3A_259 = arith.constant 1 : i32
          scf.for %scan3A_261 = %scan3A_256 to %scan3A_258 step %scan3A_259  : i32 {
            %mul3A_262 = arith.constant 16 : i32
            %mul3A_263 = arith.muli %scan3A_261, %mul3A_262 : i32
            %get3A_264 = arith.index_cast %sub3A_143 : i32 to index
            %get3A_265 = arith.index_cast %mul3A_263 : i32 to index
            %get3A_266 = tpu.vector_load %arg8[%get3A_264, %get3A_265] {strides = array<i32>} : memref<32x1280xf32, #tpu.memory_space<vmem>>, vector<1x16xf32>,
            %get3A_267 = vector.shape_cast %get3A_266 : vector<1x16xf32> to vector<16xf32>
            %mul3A_268 = arith.constant 16 : i32
            %mul3A_269 = arith.muli %scan3A_261, %mul3A_268 : i32
            %get3A_270 = arith.constant 4 : i32
            %get3A_271 = arith.index_cast %get3A_270 : i32 to index
            %get3A_272 = arith.index_cast %mul3A_269 : i32 to index
            %get3A_273 = tpu.vector_load %arg7[%get3A_271, %get3A_272] {strides = array<i32>} : memref<16x1280xf32, #tpu.memory_space<vmem>>, vector<1x16xf32>,
            %get3A_274 = vector.shape_cast %get3A_273 : vector<1x16xf32> to vector<16xf32>
            %add3A_275 = arith.addf %get3A_267, %get3A_274 : vector<16xf32>
            %mul3A_276 = arith.constant 16 : i32
            %mul3A_277 = arith.muli %scan3A_261, %mul3A_276 : i32
            %swap3A = arith.index_cast %sub3A_143 : i32 to index
            %swap3A_278 = arith.index_cast %mul3A_277 : i32 to index
            %swap3A_279 = tpu.vector_load %arg8[%swap3A, %swap3A_278] {strides = array<i32>} : memref<32x1280xf32, #tpu.memory_space<vmem>>, vector<1x16xf32>,
            %swap3A_280 = vector.shape_cast %swap3A_279 : vector<1x16xf32> to vector<16xf32>
            %swap3A_281 = vector.shape_cast %add3A_275 : vector<16xf32> to vector<1x16xf32>
            tpu.vector_store %arg8[%swap3A, %swap3A_278], %swap3A_281 {strides = array<i32>} : memref<32x1280xf32, #tpu.memory_space<vmem>>, vector<1x16xf32>,
          }
          %scan3A_260 = arith.constant 80 : i32
        } else {
        }
        %sub3A_152 = arith.subi %squeeze3A_12, %mul3A_105 : i32
        %ge3A_153 = arith.cmpi sge, %squeeze3A_12, %mul3A_105 : i32
        %add3A_154 = arith.constant 32 : i32
        %add3A_155 = arith.addi %mul3A_105, %add3A_154 : i32
        %lt3A_156 = arith.cmpi slt, %squeeze3A_12, %add3A_155 : i32
        %and3A_157 = arith.andi %ge3A_153, %lt3A_156 : i1
        %convert_element_type3A_158 = arith.extui %and3A_157 : i1 to i32
        %cond3A_159 = arith.constant 0 : i32
        %cond3A_160 = arith.cmpi ne, %convert_element_type3A_158, %cond3A_159 : i32
        scf.if %cond3A_160 {
          %scan3A_255 = arith.constant 0 : i32
          %scan3A_256 = arith.constant 0 : i32
          %scan3A_257 = arith.constant 80 : i32
          %scan3A_258 = arith.addi %scan3A_256, %scan3A_257 : i32
          %scan3A_259 = arith.constant 1 : i32
          scf.for %scan3A_261 = %scan3A_256 to %scan3A_258 step %scan3A_259  : i32 {
            %mul3A_262 = arith.constant 16 : i32
            %mul3A_263 = arith.muli %scan3A_261, %mul3A_262 : i32
            %get3A_264 = arith.index_cast %sub3A_152 : i32 to index
            %get3A_265 = arith.index_cast %mul3A_263 : i32 to index
            %get3A_266 = tpu.vector_load %arg8[%get3A_264, %get3A_265] {strides = array<i32>} : memref<32x1280xf32, #tpu.memory_space<vmem>>, vector<1x16xf32>,
            %get3A_267 = vector.shape_cast %get3A_266 : vector<1x16xf32> to vector<16xf32>
            %mul3A_268 = arith.constant 16 : i32
            %mul3A_269 = arith.muli %scan3A_261, %mul3A_268 : i32
            %get3A_270 = arith.constant 5 : i32
            %get3A_271 = arith.index_cast %get3A_270 : i32 to index
            %get3A_272 = arith.index_cast %mul3A_269 : i32 to index
            %get3A_273 = tpu.vector_load %arg7[%get3A_271, %get3A_272] {strides = array<i32>} : memref<16x1280xf32, #tpu.memory_space<vmem>>, vector<1x16xf32>,
            %get3A_274 = vector.shape_cast %get3A_273 : vector<1x16xf32> to vector<16xf32>
            %add3A_275 = arith.addf %get3A_267, %get3A_274 : vector<16xf32>
            %mul3A_276 = arith.constant 16 : i32
            %mul3A_277 = arith.muli %scan3A_261, %mul3A_276 : i32
            %swap3A = arith.index_cast %sub3A_152 : i32 to index
            %swap3A_278 = arith.index_cast %mul3A_277 : i32 to index
            %swap3A_279 = tpu.vector_load %arg8[%swap3A, %swap3A_278] {strides = array<i32>} : memref<32x1280xf32, #tpu.memory_space<vmem>>, vector<1x16xf32>,
            %swap3A_280 = vector.shape_cast %swap3A_279 : vector<1x16xf32> to vector<16xf32>
            %swap3A_281 = vector.shape_cast %add3A_275 : vector<16xf32> to vector<1x16xf32>
            tpu.vector_store %arg8[%swap3A, %swap3A_278], %swap3A_281 {strides = array<i32>} : memref<32x1280xf32, #tpu.memory_space<vmem>>, vector<1x16xf32>,
          }
          %scan3A_260 = arith.constant 80 : i32
        } else {
        }
        %sub3A_161 = arith.subi %squeeze3A_14, %mul3A_105 : i32
        %ge3A_162 = arith.cmpi sge, %squeeze3A_14, %mul3A_105 : i32
        %add3A_163 = arith.constant 32 : i32
        %add3A_164 = arith.addi %mul3A_105, %add3A_163 : i32
        %lt3A_165 = arith.cmpi slt, %squeeze3A_14, %add3A_164 : i32
        %and3A_166 = arith.andi %ge3A_162, %lt3A_165 : i1
        %convert_element_type3A_167 = arith.extui %and3A_166 : i1 to i32
        %cond3A_168 = arith.constant 0 : i32
        %cond3A_169 = arith.cmpi ne, %convert_element_type3A_167, %cond3A_168 : i32
        scf.if %cond3A_169 {
          %scan3A_255 = arith.constant 0 : i32
          %scan3A_256 = arith.constant 0 : i32
          %scan3A_257 = arith.constant 80 : i32
          %scan3A_258 = arith.addi %scan3A_256, %scan3A_257 : i32
          %scan3A_259 = arith.constant 1 : i32
          scf.for %scan3A_261 = %scan3A_256 to %scan3A_258 step %scan3A_259  : i32 {
            %mul3A_262 = arith.constant 16 : i32
            %mul3A_263 = arith.muli %scan3A_261, %mul3A_262 : i32
            %get3A_264 = arith.index_cast %sub3A_161 : i32 to index
            %get3A_265 = arith.index_cast %mul3A_263 : i32 to index
            %get3A_266 = tpu.vector_load %arg8[%get3A_264, %get3A_265] {strides = array<i32>} : memref<32x1280xf32, #tpu.memory_space<vmem>>, vector<1x16xf32>,
            %get3A_267 = vector.shape_cast %get3A_266 : vector<1x16xf32> to vector<16xf32>
            %mul3A_268 = arith.constant 16 : i32
            %mul3A_269 = arith.muli %scan3A_261, %mul3A_268 : i32
            %get3A_270 = arith.constant 6 : i32
            %get3A_271 = arith.index_cast %get3A_270 : i32 to index
            %get3A_272 = arith.index_cast %mul3A_269 : i32 to index
            %get3A_273 = tpu.vector_load %arg7[%get3A_271, %get3A_272] {strides = array<i32>} : memref<16x1280xf32, #tpu.memory_space<vmem>>, vector<1x16xf32>,
            %get3A_274 = vector.shape_cast %get3A_273 : vector<1x16xf32> to vector<16xf32>
            %add3A_275 = arith.addf %get3A_267, %get3A_274 : vector<16xf32>
            %mul3A_276 = arith.constant 16 : i32
            %mul3A_277 = arith.muli %scan3A_261, %mul3A_276 : i32
            %swap3A = arith.index_cast %sub3A_161 : i32 to index
            %swap3A_278 = arith.index_cast %mul3A_277 : i32 to index
            %swap3A_279 = tpu.vector_load %arg8[%swap3A, %swap3A_278] {strides = array<i32>} : memref<32x1280xf32, #tpu.memory_space<vmem>>, vector<1x16xf32>,
            %swap3A_280 = vector.shape_cast %swap3A_279 : vector<1x16xf32> to vector<16xf32>
            %swap3A_281 = vector.shape_cast %add3A_275 : vector<16xf32> to vector<1x16xf32>
            tpu.vector_store %arg8[%swap3A, %swap3A_278], %swap3A_281 {strides = array<i32>} : memref<32x1280xf32, #tpu.memory_space<vmem>>, vector<1x16xf32>,
          }
          %scan3A_260 = arith.constant 80 : i32
        } else {
        }
        %sub3A_170 = arith.subi %squeeze3A_16, %mul3A_105 : i32
        %ge3A_171 = arith.cmpi sge, %squeeze3A_16, %mul3A_105 : i32
        %add3A_172 = arith.constant 32 : i32
        %add3A_173 = arith.addi %mul3A_105, %add3A_172 : i32
        %lt3A_174 = arith.cmpi slt, %squeeze3A_16, %add3A_173 : i32
        %and3A_175 = arith.andi %ge3A_171, %lt3A_174 : i1
        %convert_element_type3A_176 = arith.extui %and3A_175 : i1 to i32
        %cond3A_177 = arith.constant 0 : i32
        %cond3A_178 = arith.cmpi ne, %convert_element_type3A_176, %cond3A_177 : i32
        scf.if %cond3A_178 {
          %scan3A_255 = arith.constant 0 : i32
          %scan3A_256 = arith.constant 0 : i32
          %scan3A_257 = arith.constant 80 : i32
          %scan3A_258 = arith.addi %scan3A_256, %scan3A_257 : i32
          %scan3A_259 = arith.constant 1 : i32
          scf.for %scan3A_261 = %scan3A_256 to %scan3A_258 step %scan3A_259  : i32 {
            %mul3A_262 = arith.constant 16 : i32
            %mul3A_263 = arith.muli %scan3A_261, %mul3A_262 : i32
            %get3A_264 = arith.index_cast %sub3A_170 : i32 to index
            %get3A_265 = arith.index_cast %mul3A_263 : i32 to index
            %get3A_266 = tpu.vector_load %arg8[%get3A_264, %get3A_265] {strides = array<i32>} : memref<32x1280xf32, #tpu.memory_space<vmem>>, vector<1x16xf32>,
            %get3A_267 = vector.shape_cast %get3A_266 : vector<1x16xf32> to vector<16xf32>
            %mul3A_268 = arith.constant 16 : i32
            %mul3A_269 = arith.muli %scan3A_261, %mul3A_268 : i32
            %get3A_270 = arith.constant 7 : i32
            %get3A_271 = arith.index_cast %get3A_270 : i32 to index
            %get3A_272 = arith.index_cast %mul3A_269 : i32 to index
            %get3A_273 = tpu.vector_load %arg7[%get3A_271, %get3A_272] {strides = array<i32>} : memref<16x1280xf32, #tpu.memory_space<vmem>>, vector<1x16xf32>,
            %get3A_274 = vector.shape_cast %get3A_273 : vector<1x16xf32> to vector<16xf32>
            %add3A_275 = arith.addf %get3A_267, %get3A_274 : vector<16xf32>
            %mul3A_276 = arith.constant 16 : i32
            %mul3A_277 = arith.muli %scan3A_261, %mul3A_276 : i32
            %swap3A = arith.index_cast %sub3A_170 : i32 to index
            %swap3A_278 = arith.index_cast %mul3A_277 : i32 to index
            %swap3A_279 = tpu.vector_load %arg8[%swap3A, %swap3A_278] {strides = array<i32>} : memref<32x1280xf32, #tpu.memory_space<vmem>>, vector<1x16xf32>,
            %swap3A_280 = vector.shape_cast %swap3A_279 : vector<1x16xf32> to vector<16xf32>
            %swap3A_281 = vector.shape_cast %add3A_275 : vector<16xf32> to vector<1x16xf32>
            tpu.vector_store %arg8[%swap3A, %swap3A_278], %swap3A_281 {strides = array<i32>} : memref<32x1280xf32, #tpu.memory_space<vmem>>, vector<1x16xf32>,
          }
          %scan3A_260 = arith.constant 80 : i32
        } else {
        }
        %sub3A_179 = arith.subi %squeeze3A_18, %mul3A_105 : i32
        %ge3A_180 = arith.cmpi sge, %squeeze3A_18, %mul3A_105 : i32
        %add3A_181 = arith.constant 32 : i32
        %add3A_182 = arith.addi %mul3A_105, %add3A_181 : i32
        %lt3A_183 = arith.cmpi slt, %squeeze3A_18, %add3A_182 : i32
        %and3A_184 = arith.andi %ge3A_180, %lt3A_183 : i1
        %convert_element_type3A_185 = arith.extui %and3A_184 : i1 to i32
        %cond3A_186 = arith.constant 0 : i32
        %cond3A_187 = arith.cmpi ne, %convert_element_type3A_185, %cond3A_186 : i32
        scf.if %cond3A_187 {
          %scan3A_255 = arith.constant 0 : i32
          %scan3A_256 = arith.constant 0 : i32
          %scan3A_257 = arith.constant 80 : i32
          %scan3A_258 = arith.addi %scan3A_256, %scan3A_257 : i32
          %scan3A_259 = arith.constant 1 : i32
          scf.for %scan3A_261 = %scan3A_256 to %scan3A_258 step %scan3A_259  : i32 {
            %mul3A_262 = arith.constant 16 : i32
            %mul3A_263 = arith.muli %scan3A_261, %mul3A_262 : i32
            %get3A_264 = arith.index_cast %sub3A_179 : i32 to index
            %get3A_265 = arith.index_cast %mul3A_263 : i32 to index
            %get3A_266 = tpu.vector_load %arg8[%get3A_264, %get3A_265] {strides = array<i32>} : memref<32x1280xf32, #tpu.memory_space<vmem>>, vector<1x16xf32>,
            %get3A_267 = vector.shape_cast %get3A_266 : vector<1x16xf32> to vector<16xf32>
            %mul3A_268 = arith.constant 16 : i32
            %mul3A_269 = arith.muli %scan3A_261, %mul3A_268 : i32
            %get3A_270 = arith.constant 8 : i32
            %get3A_271 = arith.index_cast %get3A_270 : i32 to index
            %get3A_272 = arith.index_cast %mul3A_269 : i32 to index
            %get3A_273 = tpu.vector_load %arg7[%get3A_271, %get3A_272] {strides = array<i32>} : memref<16x1280xf32, #tpu.memory_space<vmem>>, vector<1x16xf32>,
            %get3A_274 = vector.shape_cast %get3A_273 : vector<1x16xf32> to vector<16xf32>
            %add3A_275 = arith.addf %get3A_267, %get3A_274 : vector<16xf32>
            %mul3A_276 = arith.constant 16 : i32
            %mul3A_277 = arith.muli %scan3A_261, %mul3A_276 : i32
            %swap3A = arith.index_cast %sub3A_179 : i32 to index
            %swap3A_278 = arith.index_cast %mul3A_277 : i32 to index
            %swap3A_279 = tpu.vector_load %arg8[%swap3A, %swap3A_278] {strides = array<i32>} : memref<32x1280xf32, #tpu.memory_space<vmem>>, vector<1x16xf32>,
            %swap3A_280 = vector.shape_cast %swap3A_279 : vector<1x16xf32> to vector<16xf32>
            %swap3A_281 = vector.shape_cast %add3A_275 : vector<16xf32> to vector<1x16xf32>
            tpu.vector_store %arg8[%swap3A, %swap3A_278], %swap3A_281 {strides = array<i32>} : memref<32x1280xf32, #tpu.memory_space<vmem>>, vector<1x16xf32>,
          }
          %scan3A_260 = arith.constant 80 : i32
        } else {
        }
        %sub3A_188 = arith.subi %squeeze3A_20, %mul3A_105 : i32
        %ge3A_189 = arith.cmpi sge, %squeeze3A_20, %mul3A_105 : i32
        %add3A_190 = arith.constant 32 : i32
        %add3A_191 = arith.addi %mul3A_105, %add3A_190 : i32
        %lt3A_192 = arith.cmpi slt, %squeeze3A_20, %add3A_191 : i32
        %and3A_193 = arith.andi %ge3A_189, %lt3A_192 : i1
        %convert_element_type3A_194 = arith.extui %and3A_193 : i1 to i32
        %cond3A_195 = arith.constant 0 : i32
        %cond3A_196 = arith.cmpi ne, %convert_element_type3A_194, %cond3A_195 : i32
        scf.if %cond3A_196 {
          %scan3A_255 = arith.constant 0 : i32
          %scan3A_256 = arith.constant 0 : i32
          %scan3A_257 = arith.constant 80 : i32
          %scan3A_258 = arith.addi %scan3A_256, %scan3A_257 : i32
          %scan3A_259 = arith.constant 1 : i32
          scf.for %scan3A_261 = %scan3A_256 to %scan3A_258 step %scan3A_259  : i32 {
            %mul3A_262 = arith.constant 16 : i32
            %mul3A_263 = arith.muli %scan3A_261, %mul3A_262 : i32
            %get3A_264 = arith.index_cast %sub3A_188 : i32 to index
            %get3A_265 = arith.index_cast %mul3A_263 : i32 to index
            %get3A_266 = tpu.vector_load %arg8[%get3A_264, %get3A_265] {strides = array<i32>} : memref<32x1280xf32, #tpu.memory_space<vmem>>, vector<1x16xf32>,
            %get3A_267 = vector.shape_cast %get3A_266 : vector<1x16xf32> to vector<16xf32>
            %mul3A_268 = arith.constant 16 : i32
            %mul3A_269 = arith.muli %scan3A_261, %mul3A_268 : i32
            %get3A_270 = arith.constant 9 : i32
            %get3A_271 = arith.index_cast %get3A_270 : i32 to index
            %get3A_272 = arith.index_cast %mul3A_269 : i32 to index
            %get3A_273 = tpu.vector_load %arg7[%get3A_271, %get3A_272] {strides = array<i32>} : memref<16x1280xf32, #tpu.memory_space<vmem>>, vector<1x16xf32>,
            %get3A_274 = vector.shape_cast %get3A_273 : vector<1x16xf32> to vector<16xf32>
            %add3A_275 = arith.addf %get3A_267, %get3A_274 : vector<16xf32>
            %mul3A_276 = arith.constant 16 : i32
            %mul3A_277 = arith.muli %scan3A_261, %mul3A_276 : i32
            %swap3A = arith.index_cast %sub3A_188 : i32 to index
            %swap3A_278 = arith.index_cast %mul3A_277 : i32 to index
            %swap3A_279 = tpu.vector_load %arg8[%swap3A, %swap3A_278] {strides = array<i32>} : memref<32x1280xf32, #tpu.memory_space<vmem>>, vector<1x16xf32>,
            %swap3A_280 = vector.shape_cast %swap3A_279 : vector<1x16xf32> to vector<16xf32>
            %swap3A_281 = vector.shape_cast %add3A_275 : vector<16xf32> to vector<1x16xf32>
            tpu.vector_store %arg8[%swap3A, %swap3A_278], %swap3A_281 {strides = array<i32>} : memref<32x1280xf32, #tpu.memory_space<vmem>>, vector<1x16xf32>,
          }
          %scan3A_260 = arith.constant 80 : i32
        } else {
        }
        %sub3A_197 = arith.subi %squeeze3A_22, %mul3A_105 : i32
        %ge3A_198 = arith.cmpi sge, %squeeze3A_22, %mul3A_105 : i32
        %add3A_199 = arith.constant 32 : i32
        %add3A_200 = arith.addi %mul3A_105, %add3A_199 : i32
        %lt3A_201 = arith.cmpi slt, %squeeze3A_22, %add3A_200 : i32
        %and3A_202 = arith.andi %ge3A_198, %lt3A_201 : i1
        %convert_element_type3A_203 = arith.extui %and3A_202 : i1 to i32
        %cond3A_204 = arith.constant 0 : i32
        %cond3A_205 = arith.cmpi ne, %convert_element_type3A_203, %cond3A_204 : i32
        scf.if %cond3A_205 {
          %scan3A_255 = arith.constant 0 : i32
          %scan3A_256 = arith.constant 0 : i32
          %scan3A_257 = arith.constant 80 : i32
          %scan3A_258 = arith.addi %scan3A_256, %scan3A_257 : i32
          %scan3A_259 = arith.constant 1 : i32
          scf.for %scan3A_261 = %scan3A_256 to %scan3A_258 step %scan3A_259  : i32 {
            %mul3A_262 = arith.constant 16 : i32
            %mul3A_263 = arith.muli %scan3A_261, %mul3A_262 : i32
            %get3A_264 = arith.index_cast %sub3A_197 : i32 to index
            %get3A_265 = arith.index_cast %mul3A_263 : i32 to index
            %get3A_266 = tpu.vector_load %arg8[%get3A_264, %get3A_265] {strides = array<i32>} : memref<32x1280xf32, #tpu.memory_space<vmem>>, vector<1x16xf32>,
            %get3A_267 = vector.shape_cast %get3A_266 : vector<1x16xf32> to vector<16xf32>
            %mul3A_268 = arith.constant 16 : i32
            %mul3A_269 = arith.muli %scan3A_261, %mul3A_268 : i32
            %get3A_270 = arith.constant 10 : i32
            %get3A_271 = arith.index_cast %get3A_270 : i32 to index
            %get3A_272 = arith.index_cast %mul3A_269 : i32 to index
            %get3A_273 = tpu.vector_load %arg7[%get3A_271, %get3A_272] {strides = array<i32>} : memref<16x1280xf32, #tpu.memory_space<vmem>>, vector<1x16xf32>,
            %get3A_274 = vector.shape_cast %get3A_273 : vector<1x16xf32> to vector<16xf32>
            %add3A_275 = arith.addf %get3A_267, %get3A_274 : vector<16xf32>
            %mul3A_276 = arith.constant 16 : i32
            %mul3A_277 = arith.muli %scan3A_261, %mul3A_276 : i32
            %swap3A = arith.index_cast %sub3A_197 : i32 to index
            %swap3A_278 = arith.index_cast %mul3A_277 : i32 to index
            %swap3A_279 = tpu.vector_load %arg8[%swap3A, %swap3A_278] {strides = array<i32>} : memref<32x1280xf32, #tpu.memory_space<vmem>>, vector<1x16xf32>,
            %swap3A_280 = vector.shape_cast %swap3A_279 : vector<1x16xf32> to vector<16xf32>
            %swap3A_281 = vector.shape_cast %add3A_275 : vector<16xf32> to vector<1x16xf32>
            tpu.vector_store %arg8[%swap3A, %swap3A_278], %swap3A_281 {strides = array<i32>} : memref<32x1280xf32, #tpu.memory_space<vmem>>, vector<1x16xf32>,
          }
          %scan3A_260 = arith.constant 80 : i32
        } else {
        }
        %sub3A_206 = arith.subi %squeeze3A_24, %mul3A_105 : i32
        %ge3A_207 = arith.cmpi sge, %squeeze3A_24, %mul3A_105 : i32
        %add3A_208 = arith.constant 32 : i32
        %add3A_209 = arith.addi %mul3A_105, %add3A_208 : i32
        %lt3A_210 = arith.cmpi slt, %squeeze3A_24, %add3A_209 : i32
        %and3A_211 = arith.andi %ge3A_207, %lt3A_210 : i1
        %convert_element_type3A_212 = arith.extui %and3A_211 : i1 to i32
        %cond3A_213 = arith.constant 0 : i32
        %cond3A_214 = arith.cmpi ne, %convert_element_type3A_212, %cond3A_213 : i32
        scf.if %cond3A_214 {
          %scan3A_255 = arith.constant 0 : i32
          %scan3A_256 = arith.constant 0 : i32
          %scan3A_257 = arith.constant 80 : i32
          %scan3A_258 = arith.addi %scan3A_256, %scan3A_257 : i32
          %scan3A_259 = arith.constant 1 : i32
          scf.for %scan3A_261 = %scan3A_256 to %scan3A_258 step %scan3A_259  : i32 {
            %mul3A_262 = arith.constant 16 : i32
            %mul3A_263 = arith.muli %scan3A_261, %mul3A_262 : i32
            %get3A_264 = arith.index_cast %sub3A_206 : i32 to index
            %get3A_265 = arith.index_cast %mul3A_263 : i32 to index
            %get3A_266 = tpu.vector_load %arg8[%get3A_264, %get3A_265] {strides = array<i32>} : memref<32x1280xf32, #tpu.memory_space<vmem>>, vector<1x16xf32>,
            %get3A_267 = vector.shape_cast %get3A_266 : vector<1x16xf32> to vector<16xf32>
            %mul3A_268 = arith.constant 16 : i32
            %mul3A_269 = arith.muli %scan3A_261, %mul3A_268 : i32
            %get3A_270 = arith.constant 11 : i32
            %get3A_271 = arith.index_cast %get3A_270 : i32 to index
            %get3A_272 = arith.index_cast %mul3A_269 : i32 to index
            %get3A_273 = tpu.vector_load %arg7[%get3A_271, %get3A_272] {strides = array<i32>} : memref<16x1280xf32, #tpu.memory_space<vmem>>, vector<1x16xf32>,
            %get3A_274 = vector.shape_cast %get3A_273 : vector<1x16xf32> to vector<16xf32>
            %add3A_275 = arith.addf %get3A_267, %get3A_274 : vector<16xf32>
            %mul3A_276 = arith.constant 16 : i32
            %mul3A_277 = arith.muli %scan3A_261, %mul3A_276 : i32
            %swap3A = arith.index_cast %sub3A_206 : i32 to index
            %swap3A_278 = arith.index_cast %mul3A_277 : i32 to index
            %swap3A_279 = tpu.vector_load %arg8[%swap3A, %swap3A_278] {strides = array<i32>} : memref<32x1280xf32, #tpu.memory_space<vmem>>, vector<1x16xf32>,
            %swap3A_280 = vector.shape_cast %swap3A_279 : vector<1x16xf32> to vector<16xf32>
            %swap3A_281 = vector.shape_cast %add3A_275 : vector<16xf32> to vector<1x16xf32>
            tpu.vector_store %arg8[%swap3A, %swap3A_278], %swap3A_281 {strides = array<i32>} : memref<32x1280xf32, #tpu.memory_space<vmem>>, vector<1x16xf32>,
          }
          %scan3A_260 = arith.constant 80 : i32
        } else {
        }
        %sub3A_215 = arith.subi %squeeze3A_26, %mul3A_105 : i32
        %ge3A_216 = arith.cmpi sge, %squeeze3A_26, %mul3A_105 : i32
        %add3A_217 = arith.constant 32 : i32
        %add3A_218 = arith.addi %mul3A_105, %add3A_217 : i32
        %lt3A_219 = arith.cmpi slt, %squeeze3A_26, %add3A_218 : i32
        %and3A_220 = arith.andi %ge3A_216, %lt3A_219 : i1
        %convert_element_type3A_221 = arith.extui %and3A_220 : i1 to i32
        %cond3A_222 = arith.constant 0 : i32
        %cond3A_223 = arith.cmpi ne, %convert_element_type3A_221, %cond3A_222 : i32
        scf.if %cond3A_223 {
          %scan3A_255 = arith.constant 0 : i32
          %scan3A_256 = arith.constant 0 : i32
          %scan3A_257 = arith.constant 80 : i32
          %scan3A_258 = arith.addi %scan3A_256, %scan3A_257 : i32
          %scan3A_259 = arith.constant 1 : i32
          scf.for %scan3A_261 = %scan3A_256 to %scan3A_258 step %scan3A_259  : i32 {
            %mul3A_262 = arith.constant 16 : i32
            %mul3A_263 = arith.muli %scan3A_261, %mul3A_262 : i32
            %get3A_264 = arith.index_cast %sub3A_215 : i32 to index
            %get3A_265 = arith.index_cast %mul3A_263 : i32 to index
            %get3A_266 = tpu.vector_load %arg8[%get3A_264, %get3A_265] {strides = array<i32>} : memref<32x1280xf32, #tpu.memory_space<vmem>>, vector<1x16xf32>,
            %get3A_267 = vector.shape_cast %get3A_266 : vector<1x16xf32> to vector<16xf32>
            %mul3A_268 = arith.constant 16 : i32
            %mul3A_269 = arith.muli %scan3A_261, %mul3A_268 : i32
            %get3A_270 = arith.constant 12 : i32
            %get3A_271 = arith.index_cast %get3A_270 : i32 to index
            %get3A_272 = arith.index_cast %mul3A_269 : i32 to index
            %get3A_273 = tpu.vector_load %arg7[%get3A_271, %get3A_272] {strides = array<i32>} : memref<16x1280xf32, #tpu.memory_space<vmem>>, vector<1x16xf32>,
            %get3A_274 = vector.shape_cast %get3A_273 : vector<1x16xf32> to vector<16xf32>
            %add3A_275 = arith.addf %get3A_267, %get3A_274 : vector<16xf32>
            %mul3A_276 = arith.constant 16 : i32
            %mul3A_277 = arith.muli %scan3A_261, %mul3A_276 : i32
            %swap3A = arith.index_cast %sub3A_215 : i32 to index
            %swap3A_278 = arith.index_cast %mul3A_277 : i32 to index
            %swap3A_279 = tpu.vector_load %arg8[%swap3A, %swap3A_278] {strides = array<i32>} : memref<32x1280xf32, #tpu.memory_space<vmem>>, vector<1x16xf32>,
            %swap3A_280 = vector.shape_cast %swap3A_279 : vector<1x16xf32> to vector<16xf32>
            %swap3A_281 = vector.shape_cast %add3A_275 : vector<16xf32> to vector<1x16xf32>
            tpu.vector_store %arg8[%swap3A, %swap3A_278], %swap3A_281 {strides = array<i32>} : memref<32x1280xf32, #tpu.memory_space<vmem>>, vector<1x16xf32>,
          }
          %scan3A_260 = arith.constant 80 : i32
        } else {
        }
        %sub3A_224 = arith.subi %squeeze3A_28, %mul3A_105 : i32
        %ge3A_225 = arith.cmpi sge, %squeeze3A_28, %mul3A_105 : i32
        %add3A_226 = arith.constant 32 : i32
        %add3A_227 = arith.addi %mul3A_105, %add3A_226 : i32
        %lt3A_228 = arith.cmpi slt, %squeeze3A_28, %add3A_227 : i32
        %and3A_229 = arith.andi %ge3A_225, %lt3A_228 : i1
        %convert_element_type3A_230 = arith.extui %and3A_229 : i1 to i32
        %cond3A_231 = arith.constant 0 : i32
        %cond3A_232 = arith.cmpi ne, %convert_element_type3A_230, %cond3A_231 : i32
        scf.if %cond3A_232 {
          %scan3A_255 = arith.constant 0 : i32
          %scan3A_256 = arith.constant 0 : i32
          %scan3A_257 = arith.constant 80 : i32
          %scan3A_258 = arith.addi %scan3A_256, %scan3A_257 : i32
          %scan3A_259 = arith.constant 1 : i32
          scf.for %scan3A_261 = %scan3A_256 to %scan3A_258 step %scan3A_259  : i32 {
            %mul3A_262 = arith.constant 16 : i32
            %mul3A_263 = arith.muli %scan3A_261, %mul3A_262 : i32
            %get3A_264 = arith.index_cast %sub3A_224 : i32 to index
            %get3A_265 = arith.index_cast %mul3A_263 : i32 to index
            %get3A_266 = tpu.vector_load %arg8[%get3A_264, %get3A_265] {strides = array<i32>} : memref<32x1280xf32, #tpu.memory_space<vmem>>, vector<1x16xf32>,
            %get3A_267 = vector.shape_cast %get3A_266 : vector<1x16xf32> to vector<16xf32>
            %mul3A_268 = arith.constant 16 : i32
            %mul3A_269 = arith.muli %scan3A_261, %mul3A_268 : i32
            %get3A_270 = arith.constant 13 : i32
            %get3A_271 = arith.index_cast %get3A_270 : i32 to index
            %get3A_272 = arith.index_cast %mul3A_269 : i32 to index
            %get3A_273 = tpu.vector_load %arg7[%get3A_271, %get3A_272] {strides = array<i32>} : memref<16x1280xf32, #tpu.memory_space<vmem>>, vector<1x16xf32>,
            %get3A_274 = vector.shape_cast %get3A_273 : vector<1x16xf32> to vector<16xf32>
            %add3A_275 = arith.addf %get3A_267, %get3A_274 : vector<16xf32>
            %mul3A_276 = arith.constant 16 : i32
            %mul3A_277 = arith.muli %scan3A_261, %mul3A_276 : i32
            %swap3A = arith.index_cast %sub3A_224 : i32 to index
            %swap3A_278 = arith.index_cast %mul3A_277 : i32 to index
            %swap3A_279 = tpu.vector_load %arg8[%swap3A, %swap3A_278] {strides = array<i32>} : memref<32x1280xf32, #tpu.memory_space<vmem>>, vector<1x16xf32>,
            %swap3A_280 = vector.shape_cast %swap3A_279 : vector<1x16xf32> to vector<16xf32>
            %swap3A_281 = vector.shape_cast %add3A_275 : vector<16xf32> to vector<1x16xf32>
            tpu.vector_store %arg8[%swap3A, %swap3A_278], %swap3A_281 {strides = array<i32>} : memref<32x1280xf32, #tpu.memory_space<vmem>>, vector<1x16xf32>,
          }
          %scan3A_260 = arith.constant 80 : i32
        } else {
        }
        %sub3A_233 = arith.subi %squeeze3A_30, %mul3A_105 : i32
        %ge3A_234 = arith.cmpi sge, %squeeze3A_30, %mul3A_105 : i32
        %add3A_235 = arith.constant 32 : i32
        %add3A_236 = arith.addi %mul3A_105, %add3A_235 : i32
        %lt3A_237 = arith.cmpi slt, %squeeze3A_30, %add3A_236 : i32
        %and3A_238 = arith.andi %ge3A_234, %lt3A_237 : i1
        %convert_element_type3A_239 = arith.extui %and3A_238 : i1 to i32
        %cond3A_240 = arith.constant 0 : i32
        %cond3A_241 = arith.cmpi ne, %convert_element_type3A_239, %cond3A_240 : i32
        scf.if %cond3A_241 {
          %scan3A_255 = arith.constant 0 : i32
          %scan3A_256 = arith.constant 0 : i32
          %scan3A_257 = arith.constant 80 : i32
          %scan3A_258 = arith.addi %scan3A_256, %scan3A_257 : i32
          %scan3A_259 = arith.constant 1 : i32
          scf.for %scan3A_261 = %scan3A_256 to %scan3A_258 step %scan3A_259  : i32 {
            %mul3A_262 = arith.constant 16 : i32
            %mul3A_263 = arith.muli %scan3A_261, %mul3A_262 : i32
            %get3A_264 = arith.index_cast %sub3A_233 : i32 to index
            %get3A_265 = arith.index_cast %mul3A_263 : i32 to index
            %get3A_266 = tpu.vector_load %arg8[%get3A_264, %get3A_265] {strides = array<i32>} : memref<32x1280xf32, #tpu.memory_space<vmem>>, vector<1x16xf32>,
            %get3A_267 = vector.shape_cast %get3A_266 : vector<1x16xf32> to vector<16xf32>
            %mul3A_268 = arith.constant 16 : i32
            %mul3A_269 = arith.muli %scan3A_261, %mul3A_268 : i32
            %get3A_270 = arith.constant 14 : i32
            %get3A_271 = arith.index_cast %get3A_270 : i32 to index
            %get3A_272 = arith.index_cast %mul3A_269 : i32 to index
            %get3A_273 = tpu.vector_load %arg7[%get3A_271, %get3A_272] {strides = array<i32>} : memref<16x1280xf32, #tpu.memory_space<vmem>>, vector<1x16xf32>,
            %get3A_274 = vector.shape_cast %get3A_273 : vector<1x16xf32> to vector<16xf32>
            %add3A_275 = arith.addf %get3A_267, %get3A_274 : vector<16xf32>
            %mul3A_276 = arith.constant 16 : i32
            %mul3A_277 = arith.muli %scan3A_261, %mul3A_276 : i32
            %swap3A = arith.index_cast %sub3A_233 : i32 to index
            %swap3A_278 = arith.index_cast %mul3A_277 : i32 to index
            %swap3A_279 = tpu.vector_load %arg8[%swap3A, %swap3A_278] {strides = array<i32>} : memref<32x1280xf32, #tpu.memory_space<vmem>>, vector<1x16xf32>,
            %swap3A_280 = vector.shape_cast %swap3A_279 : vector<1x16xf32> to vector<16xf32>
            %swap3A_281 = vector.shape_cast %add3A_275 : vector<16xf32> to vector<1x16xf32>
            tpu.vector_store %arg8[%swap3A, %swap3A_278], %swap3A_281 {strides = array<i32>} : memref<32x1280xf32, #tpu.memory_space<vmem>>, vector<1x16xf32>,
          }
          %scan3A_260 = arith.constant 80 : i32
        } else {
        }
        %sub3A_242 = arith.subi %squeeze3A_32, %mul3A_105 : i32
        %ge3A_243 = arith.cmpi sge, %squeeze3A_32, %mul3A_105 : i32
        %add3A_244 = arith.constant 32 : i32
        %add3A_245 = arith.addi %mul3A_105, %add3A_244 : i32
        %lt3A_246 = arith.cmpi slt, %squeeze3A_32, %add3A_245 : i32
        %and3A_247 = arith.andi %ge3A_243, %lt3A_246 : i1
        %convert_element_type3A_248 = arith.extui %and3A_247 : i1 to i32
        %cond3A_249 = arith.constant 0 : i32
        %cond3A_250 = arith.cmpi ne, %convert_element_type3A_248, %cond3A_249 : i32
        scf.if %cond3A_250 {
          %scan3A_255 = arith.constant 0 : i32
          %scan3A_256 = arith.constant 0 : i32
          %scan3A_257 = arith.constant 80 : i32
          %scan3A_258 = arith.addi %scan3A_256, %scan3A_257 : i32
          %scan3A_259 = arith.constant 1 : i32
          scf.for %scan3A_261 = %scan3A_256 to %scan3A_258 step %scan3A_259  : i32 {
            %mul3A_262 = arith.constant 16 : i32
            %mul3A_263 = arith.muli %scan3A_261, %mul3A_262 : i32
            %get3A_264 = arith.index_cast %sub3A_242 : i32 to index
            %get3A_265 = arith.index_cast %mul3A_263 : i32 to index
            %get3A_266 = tpu.vector_load %arg8[%get3A_264, %get3A_265] {strides = array<i32>} : memref<32x1280xf32, #tpu.memory_space<vmem>>, vector<1x16xf32>,
            %get3A_267 = vector.shape_cast %get3A_266 : vector<1x16xf32> to vector<16xf32>
            %mul3A_268 = arith.constant 16 : i32
            %mul3A_269 = arith.muli %scan3A_261, %mul3A_268 : i32
            %get3A_270 = arith.constant 15 : i32
            %get3A_271 = arith.index_cast %get3A_270 : i32 to index
            %get3A_272 = arith.index_cast %mul3A_269 : i32 to index
            %get3A_273 = tpu.vector_load %arg7[%get3A_271, %get3A_272] {strides = array<i32>} : memref<16x1280xf32, #tpu.memory_space<vmem>>, vector<1x16xf32>,
            %get3A_274 = vector.shape_cast %get3A_273 : vector<1x16xf32> to vector<16xf32>
            %add3A_275 = arith.addf %get3A_267, %get3A_274 : vector<16xf32>
            %mul3A_276 = arith.constant 16 : i32
            %mul3A_277 = arith.muli %scan3A_261, %mul3A_276 : i32
            %swap3A = arith.index_cast %sub3A_242 : i32 to index
            %swap3A_278 = arith.index_cast %mul3A_277 : i32 to index
            %swap3A_279 = tpu.vector_load %arg8[%swap3A, %swap3A_278] {strides = array<i32>} : memref<32x1280xf32, #tpu.memory_space<vmem>>, vector<1x16xf32>,
            %swap3A_280 = vector.shape_cast %swap3A_279 : vector<1x16xf32> to vector<16xf32>
            %swap3A_281 = vector.shape_cast %add3A_275 : vector<16xf32> to vector<1x16xf32>
            tpu.vector_store %arg8[%swap3A, %swap3A_278], %swap3A_281 {strides = array<i32>} : memref<32x1280xf32, #tpu.memory_space<vmem>>, vector<1x16xf32>,
          }
          %scan3A_260 = arith.constant 80 : i32
        } else {
        }
        %dma_start3A_251 = arith.constant 0 : i32
        %dma_start3A_252 = tpu.memref_slice %arg5[%mul3A_105, %dma_start3A_251] : memref<49408x1280xf32, #tpu.memory_space<hbm>> -> memref<32x1280xf32, #tpu.memory_space<hbm>>
        %dma_start3A_253 = arith.constant 0 : i32
        %dma_start3A_254 = tpu.memref_slice %arg5[%mul3A_105, %dma_start3A_253] : memref<49408x1280xf32, #tpu.memory_space<hbm>> -> memref<32x1280xf32, #tpu.memory_space<hbm>>
        tpu.enqueue_dma source(%arg8 : memref<32x1280xf32, #tpu.memory_space<vmem>>) target(%dma_start3A_254 : memref<32x1280xf32, #tpu.memory_space<hbm>>) target_semaphore(%arg12 : memref<!tpu.dma_semaphore, #tpu.memory_space<semaphore_mem>>)
      } else {
      }
      %add3A_72 = arith.constant 2 : i32
      %add3A_73 = arith.addi %mul3A_66, %add3A_72 : i32
      %mul3A_74 = arith.constant 32 : i32
      %mul3A_75 = arith.muli %add3A_73, %mul3A_74 : i32
      %add3A_76 = arith.addi %add3A, %mul3A_75 : i32
      %lt3A_77 = arith.constant 1544 : i32
      %lt3A_78 = arith.cmpi slt, %add3A_76, %lt3A_77 : i32
      %convert_element_type3A_79 = arith.extui %lt3A_78 : i1 to i32
      %cond3A_80 = arith.constant 0 : i32
      %cond3A_81 = arith.cmpi ne, %convert_element_type3A_79, %cond3A_80 : i32
      scf.if %cond3A_81 {
        %mul3A_104 = arith.constant 32 : i32
        %mul3A_105 = arith.muli %add3A_69, %mul3A_104 : i32
        %dma_wait3A_106 = arith.constant 0 : i32
        %dma_wait3A_107 = tpu.memref_slice %arg5[%mul3A_105, %dma_wait3A_106] : memref<49408x1280xf32, #tpu.memory_space<hbm>> -> memref<32x1280xf32, #tpu.memory_space<hbm>>
        %dma_wait3A_108 = arith.constant 0 : i32
        %dma_wait3A_109 = tpu.memref_slice %arg5[%mul3A_105, %dma_wait3A_108] : memref<49408x1280xf32, #tpu.memory_space<hbm>> -> memref<32x1280xf32, #tpu.memory_space<hbm>>
        tpu.wait_dma2 semaphore(%arg12 : memref<!tpu.dma_semaphore, #tpu.memory_space<semaphore_mem>>) src(%arg8 : memref<32x1280xf32, #tpu.memory_space<vmem>>) dst(%dma_wait3A_109 : memref<32x1280xf32, #tpu.memory_space<hbm>>)
        %add3A_110 = arith.constant 2 : i32
        %add3A_111 = arith.addi %mul3A_66, %add3A_110 : i32
        %mul3A_112 = arith.constant 32 : i32
        %mul3A_113 = arith.muli %add3A_111, %mul3A_112 : i32
        %add3A_114 = arith.addi %add3A, %mul3A_113 : i32
        %mul3A_115 = arith.constant 32 : i32
        %mul3A_116 = arith.muli %add3A_114, %mul3A_115 : i32
        %dma_start3A_117 = arith.constant 0 : i32
        %dma_start3A_118 = tpu.memref_slice %arg2[%mul3A_116, %dma_start3A_117] : memref<49408x1280xf32, #tpu.memory_space<hbm>> -> memref<32x1280xf32, #tpu.memory_space<hbm>>
        %dma_start3A_119 = arith.constant 0 : i32
        %dma_start3A_120 = tpu.memref_slice %arg2[%mul3A_116, %dma_start3A_119] : memref<49408x1280xf32, #tpu.memory_space<hbm>> -> memref<32x1280xf32, #tpu.memory_space<hbm>>
        tpu.enqueue_dma source(%dma_start3A_120 : memref<32x1280xf32, #tpu.memory_space<hbm>>) target(%arg8 : memref<32x1280xf32, #tpu.memory_space<vmem>>) target_semaphore(%arg10 : memref<!tpu.dma_semaphore, #tpu.memory_space<semaphore_mem>>)
      } else {
      }
      %mul3A_82 = arith.constant 2 : i32
      %mul3A_83 = arith.muli %mul3A_82, %scan3A_64 : i32
      %add3A_84 = arith.constant 1 : i32
      %add3A_85 = arith.addi %mul3A_83, %add3A_84 : i32
      %mul3A_86 = arith.constant 32 : i32
      %mul3A_87 = arith.muli %add3A_85, %mul3A_86 : i32
      %add3A_88 = arith.addi %add3A, %mul3A_87 : i32
      %lt3A_89 = arith.constant 1544 : i32
      %lt3A_90 = arith.cmpi slt, %add3A_88, %lt3A_89 : i32
      %convert_element_type3A_91 = arith.extui %lt3A_90 : i1 to i32
      %cond3A_92 = arith.constant 0 : i32
      %cond3A_93 = arith.cmpi ne, %convert_element_type3A_91, %cond3A_92 : i32
      scf.if %cond3A_93 {
        %mul3A_104 = arith.constant 32 : i32
        %mul3A_105 = arith.muli %add3A_88, %mul3A_104 : i32
        %dma_wait3A_106 = arith.constant 0 : i32
        %dma_wait3A_107 = tpu.memref_slice %arg2[%mul3A_105, %dma_wait3A_106] : memref<49408x1280xf32, #tpu.memory_space<hbm>> -> memref<32x1280xf32, #tpu.memory_space<hbm>>
        %dma_wait3A_108 = arith.constant 0 : i32
        %dma_wait3A_109 = tpu.memref_slice %arg2[%mul3A_105, %dma_wait3A_108] : memref<49408x1280xf32, #tpu.memory_space<hbm>> -> memref<32x1280xf32, #tpu.memory_space<hbm>>
        tpu.wait_dma2 semaphore(%arg11 : memref<!tpu.dma_semaphore, #tpu.memory_space<semaphore_mem>>) src(%dma_wait3A_109 : memref<32x1280xf32, #tpu.memory_space<hbm>>) dst(%arg9 : memref<32x1280xf32, #tpu.memory_space<vmem>>)
        %sub3A = arith.subi %squeeze3A, %mul3A_105 : i32
        %ge3A = arith.cmpi sge, %squeeze3A, %mul3A_105 : i32
        %add3A_110 = arith.constant 32 : i32
        %add3A_111 = arith.addi %mul3A_105, %add3A_110 : i32
        %lt3A_112 = arith.cmpi slt, %squeeze3A, %add3A_111 : i32
        %and3A = arith.andi %ge3A, %lt3A_112 : i1
        %convert_element_type3A_113 = arith.extui %and3A : i1 to i32
        %cond3A_114 = arith.constant 0 : i32
        %cond3A_115 = arith.cmpi ne, %convert_element_type3A_113, %cond3A_114 : i32
        scf.if %cond3A_115 {
          %scan3A_255 = arith.constant 0 : i32
          %scan3A_256 = arith.constant 0 : i32
          %scan3A_257 = arith.constant 80 : i32
          %scan3A_258 = arith.addi %scan3A_256, %scan3A_257 : i32
          %scan3A_259 = arith.constant 1 : i32
          scf.for %scan3A_261 = %scan3A_256 to %scan3A_258 step %scan3A_259  : i32 {
            %mul3A_262 = arith.constant 16 : i32
            %mul3A_263 = arith.muli %scan3A_261, %mul3A_262 : i32
            %get3A_264 = arith.index_cast %sub3A : i32 to index
            %get3A_265 = arith.index_cast %mul3A_263 : i32 to index
            %get3A_266 = tpu.vector_load %arg9[%get3A_264, %get3A_265] {strides = array<i32>} : memref<32x1280xf32, #tpu.memory_space<vmem>>, vector<1x16xf32>,
            %get3A_267 = vector.shape_cast %get3A_266 : vector<1x16xf32> to vector<16xf32>
            %mul3A_268 = arith.constant 16 : i32
            %mul3A_269 = arith.muli %scan3A_261, %mul3A_268 : i32
            %get3A_270 = arith.constant 0 : i32
            %get3A_271 = arith.index_cast %get3A_270 : i32 to index
            %get3A_272 = arith.index_cast %mul3A_269 : i32 to index
            %get3A_273 = tpu.vector_load %arg7[%get3A_271, %get3A_272] {strides = array<i32>} : memref<16x1280xf32, #tpu.memory_space<vmem>>, vector<1x16xf32>,
            %get3A_274 = vector.shape_cast %get3A_273 : vector<1x16xf32> to vector<16xf32>
            %add3A_275 = arith.addf %get3A_267, %get3A_274 : vector<16xf32>
            %mul3A_276 = arith.constant 16 : i32
            %mul3A_277 = arith.muli %scan3A_261, %mul3A_276 : i32
            %swap3A = arith.index_cast %sub3A : i32 to index
            %swap3A_278 = arith.index_cast %mul3A_277 : i32 to index
            %swap3A_279 = tpu.vector_load %arg9[%swap3A, %swap3A_278] {strides = array<i32>} : memref<32x1280xf32, #tpu.memory_space<vmem>>, vector<1x16xf32>,
            %swap3A_280 = vector.shape_cast %swap3A_279 : vector<1x16xf32> to vector<16xf32>
            %swap3A_281 = vector.shape_cast %add3A_275 : vector<16xf32> to vector<1x16xf32>
            tpu.vector_store %arg9[%swap3A, %swap3A_278], %swap3A_281 {strides = array<i32>} : memref<32x1280xf32, #tpu.memory_space<vmem>>, vector<1x16xf32>,
          }
          %scan3A_260 = arith.constant 80 : i32
        } else {
        }
        %sub3A_116 = arith.subi %squeeze3A_4, %mul3A_105 : i32
        %ge3A_117 = arith.cmpi sge, %squeeze3A_4, %mul3A_105 : i32
        %add3A_118 = arith.constant 32 : i32
        %add3A_119 = arith.addi %mul3A_105, %add3A_118 : i32
        %lt3A_120 = arith.cmpi slt, %squeeze3A_4, %add3A_119 : i32
        %and3A_121 = arith.andi %ge3A_117, %lt3A_120 : i1
        %convert_element_type3A_122 = arith.extui %and3A_121 : i1 to i32
        %cond3A_123 = arith.constant 0 : i32
        %cond3A_124 = arith.cmpi ne, %convert_element_type3A_122, %cond3A_123 : i32
        scf.if %cond3A_124 {
          %scan3A_255 = arith.constant 0 : i32
          %scan3A_256 = arith.constant 0 : i32
          %scan3A_257 = arith.constant 80 : i32
          %scan3A_258 = arith.addi %scan3A_256, %scan3A_257 : i32
          %scan3A_259 = arith.constant 1 : i32
          scf.for %scan3A_261 = %scan3A_256 to %scan3A_258 step %scan3A_259  : i32 {
            %mul3A_262 = arith.constant 16 : i32
            %mul3A_263 = arith.muli %scan3A_261, %mul3A_262 : i32
            %get3A_264 = arith.index_cast %sub3A_116 : i32 to index
            %get3A_265 = arith.index_cast %mul3A_263 : i32 to index
            %get3A_266 = tpu.vector_load %arg9[%get3A_264, %get3A_265] {strides = array<i32>} : memref<32x1280xf32, #tpu.memory_space<vmem>>, vector<1x16xf32>,
            %get3A_267 = vector.shape_cast %get3A_266 : vector<1x16xf32> to vector<16xf32>
            %mul3A_268 = arith.constant 16 : i32
            %mul3A_269 = arith.muli %scan3A_261, %mul3A_268 : i32
            %get3A_270 = arith.constant 1 : i32
            %get3A_271 = arith.index_cast %get3A_270 : i32 to index
            %get3A_272 = arith.index_cast %mul3A_269 : i32 to index
            %get3A_273 = tpu.vector_load %arg7[%get3A_271, %get3A_272] {strides = array<i32>} : memref<16x1280xf32, #tpu.memory_space<vmem>>, vector<1x16xf32>,
            %get3A_274 = vector.shape_cast %get3A_273 : vector<1x16xf32> to vector<16xf32>
            %add3A_275 = arith.addf %get3A_267, %get3A_274 : vector<16xf32>
            %mul3A_276 = arith.constant 16 : i32
            %mul3A_277 = arith.muli %scan3A_261, %mul3A_276 : i32
            %swap3A = arith.index_cast %sub3A_116 : i32 to index
            %swap3A_278 = arith.index_cast %mul3A_277 : i32 to index
            %swap3A_279 = tpu.vector_load %arg9[%swap3A, %swap3A_278] {strides = array<i32>} : memref<32x1280xf32, #tpu.memory_space<vmem>>, vector<1x16xf32>,
            %swap3A_280 = vector.shape_cast %swap3A_279 : vector<1x16xf32> to vector<16xf32>
            %swap3A_281 = vector.shape_cast %add3A_275 : vector<16xf32> to vector<1x16xf32>
            tpu.vector_store %arg9[%swap3A, %swap3A_278], %swap3A_281 {strides = array<i32>} : memref<32x1280xf32, #tpu.memory_space<vmem>>, vector<1x16xf32>,
          }
          %scan3A_260 = arith.constant 80 : i32
        } else {
        }
        %sub3A_125 = arith.subi %squeeze3A_6, %mul3A_105 : i32
        %ge3A_126 = arith.cmpi sge, %squeeze3A_6, %mul3A_105 : i32
        %add3A_127 = arith.constant 32 : i32
        %add3A_128 = arith.addi %mul3A_105, %add3A_127 : i32
        %lt3A_129 = arith.cmpi slt, %squeeze3A_6, %add3A_128 : i32
        %and3A_130 = arith.andi %ge3A_126, %lt3A_129 : i1
        %convert_element_type3A_131 = arith.extui %and3A_130 : i1 to i32
        %cond3A_132 = arith.constant 0 : i32
        %cond3A_133 = arith.cmpi ne, %convert_element_type3A_131, %cond3A_132 : i32
        scf.if %cond3A_133 {
          %scan3A_255 = arith.constant 0 : i32
          %scan3A_256 = arith.constant 0 : i32
          %scan3A_257 = arith.constant 80 : i32
          %scan3A_258 = arith.addi %scan3A_256, %scan3A_257 : i32
          %scan3A_259 = arith.constant 1 : i32
          scf.for %scan3A_261 = %scan3A_256 to %scan3A_258 step %scan3A_259  : i32 {
            %mul3A_262 = arith.constant 16 : i32
            %mul3A_263 = arith.muli %scan3A_261, %mul3A_262 : i32
            %get3A_264 = arith.index_cast %sub3A_125 : i32 to index
            %get3A_265 = arith.index_cast %mul3A_263 : i32 to index
            %get3A_266 = tpu.vector_load %arg9[%get3A_264, %get3A_265] {strides = array<i32>} : memref<32x1280xf32, #tpu.memory_space<vmem>>, vector<1x16xf32>,
            %get3A_267 = vector.shape_cast %get3A_266 : vector<1x16xf32> to vector<16xf32>
            %mul3A_268 = arith.constant 16 : i32
            %mul3A_269 = arith.muli %scan3A_261, %mul3A_268 : i32
            %get3A_270 = arith.constant 2 : i32
            %get3A_271 = arith.index_cast %get3A_270 : i32 to index
            %get3A_272 = arith.index_cast %mul3A_269 : i32 to index
            %get3A_273 = tpu.vector_load %arg7[%get3A_271, %get3A_272] {strides = array<i32>} : memref<16x1280xf32, #tpu.memory_space<vmem>>, vector<1x16xf32>,
            %get3A_274 = vector.shape_cast %get3A_273 : vector<1x16xf32> to vector<16xf32>
            %add3A_275 = arith.addf %get3A_267, %get3A_274 : vector<16xf32>
            %mul3A_276 = arith.constant 16 : i32
            %mul3A_277 = arith.muli %scan3A_261, %mul3A_276 : i32
            %swap3A = arith.index_cast %sub3A_125 : i32 to index
            %swap3A_278 = arith.index_cast %mul3A_277 : i32 to index
            %swap3A_279 = tpu.vector_load %arg9[%swap3A, %swap3A_278] {strides = array<i32>} : memref<32x1280xf32, #tpu.memory_space<vmem>>, vector<1x16xf32>,
            %swap3A_280 = vector.shape_cast %swap3A_279 : vector<1x16xf32> to vector<16xf32>
            %swap3A_281 = vector.shape_cast %add3A_275 : vector<16xf32> to vector<1x16xf32>
            tpu.vector_store %arg9[%swap3A, %swap3A_278], %swap3A_281 {strides = array<i32>} : memref<32x1280xf32, #tpu.memory_space<vmem>>, vector<1x16xf32>,
          }
          %scan3A_260 = arith.constant 80 : i32
        } else {
        }
        %sub3A_134 = arith.subi %squeeze3A_8, %mul3A_105 : i32
        %ge3A_135 = arith.cmpi sge, %squeeze3A_8, %mul3A_105 : i32
        %add3A_136 = arith.constant 32 : i32
        %add3A_137 = arith.addi %mul3A_105, %add3A_136 : i32
        %lt3A_138 = arith.cmpi slt, %squeeze3A_8, %add3A_137 : i32
        %and3A_139 = arith.andi %ge3A_135, %lt3A_138 : i1
        %convert_element_type3A_140 = arith.extui %and3A_139 : i1 to i32
        %cond3A_141 = arith.constant 0 : i32
        %cond3A_142 = arith.cmpi ne, %convert_element_type3A_140, %cond3A_141 : i32
        scf.if %cond3A_142 {
          %scan3A_255 = arith.constant 0 : i32
          %scan3A_256 = arith.constant 0 : i32
          %scan3A_257 = arith.constant 80 : i32
          %scan3A_258 = arith.addi %scan3A_256, %scan3A_257 : i32
          %scan3A_259 = arith.constant 1 : i32
          scf.for %scan3A_261 = %scan3A_256 to %scan3A_258 step %scan3A_259  : i32 {
            %mul3A_262 = arith.constant 16 : i32
            %mul3A_263 = arith.muli %scan3A_261, %mul3A_262 : i32
            %get3A_264 = arith.index_cast %sub3A_134 : i32 to index
            %get3A_265 = arith.index_cast %mul3A_263 : i32 to index
            %get3A_266 = tpu.vector_load %arg9[%get3A_264, %get3A_265] {strides = array<i32>} : memref<32x1280xf32, #tpu.memory_space<vmem>>, vector<1x16xf32>,
            %get3A_267 = vector.shape_cast %get3A_266 : vector<1x16xf32> to vector<16xf32>
            %mul3A_268 = arith.constant 16 : i32
            %mul3A_269 = arith.muli %scan3A_261, %mul3A_268 : i32
            %get3A_270 = arith.constant 3 : i32
            %get3A_271 = arith.index_cast %get3A_270 : i32 to index
            %get3A_272 = arith.index_cast %mul3A_269 : i32 to index
            %get3A_273 = tpu.vector_load %arg7[%get3A_271, %get3A_272] {strides = array<i32>} : memref<16x1280xf32, #tpu.memory_space<vmem>>, vector<1x16xf32>,
            %get3A_274 = vector.shape_cast %get3A_273 : vector<1x16xf32> to vector<16xf32>
            %add3A_275 = arith.addf %get3A_267, %get3A_274 : vector<16xf32>
            %mul3A_276 = arith.constant 16 : i32
            %mul3A_277 = arith.muli %scan3A_261, %mul3A_276 : i32
            %swap3A = arith.index_cast %sub3A_134 : i32 to index
            %swap3A_278 = arith.index_cast %mul3A_277 : i32 to index
            %swap3A_279 = tpu.vector_load %arg9[%swap3A, %swap3A_278] {strides = array<i32>} : memref<32x1280xf32, #tpu.memory_space<vmem>>, vector<1x16xf32>,
            %swap3A_280 = vector.shape_cast %swap3A_279 : vector<1x16xf32> to vector<16xf32>
            %swap3A_281 = vector.shape_cast %add3A_275 : vector<16xf32> to vector<1x16xf32>
            tpu.vector_store %arg9[%swap3A, %swap3A_278], %swap3A_281 {strides = array<i32>} : memref<32x1280xf32, #tpu.memory_space<vmem>>, vector<1x16xf32>,
          }
          %scan3A_260 = arith.constant 80 : i32
        } else {
        }
        %sub3A_143 = arith.subi %squeeze3A_10, %mul3A_105 : i32
        %ge3A_144 = arith.cmpi sge, %squeeze3A_10, %mul3A_105 : i32
        %add3A_145 = arith.constant 32 : i32
        %add3A_146 = arith.addi %mul3A_105, %add3A_145 : i32
        %lt3A_147 = arith.cmpi slt, %squeeze3A_10, %add3A_146 : i32
        %and3A_148 = arith.andi %ge3A_144, %lt3A_147 : i1
        %convert_element_type3A_149 = arith.extui %and3A_148 : i1 to i32
        %cond3A_150 = arith.constant 0 : i32
        %cond3A_151 = arith.cmpi ne, %convert_element_type3A_149, %cond3A_150 : i32
        scf.if %cond3A_151 {
          %scan3A_255 = arith.constant 0 : i32
          %scan3A_256 = arith.constant 0 : i32
          %scan3A_257 = arith.constant 80 : i32
          %scan3A_258 = arith.addi %scan3A_256, %scan3A_257 : i32
          %scan3A_259 = arith.constant 1 : i32
          scf.for %scan3A_261 = %scan3A_256 to %scan3A_258 step %scan3A_259  : i32 {
            %mul3A_262 = arith.constant 16 : i32
            %mul3A_263 = arith.muli %scan3A_261, %mul3A_262 : i32
            %get3A_264 = arith.index_cast %sub3A_143 : i32 to index
            %get3A_265 = arith.index_cast %mul3A_263 : i32 to index
            %get3A_266 = tpu.vector_load %arg9[%get3A_264, %get3A_265] {strides = array<i32>} : memref<32x1280xf32, #tpu.memory_space<vmem>>, vector<1x16xf32>,
            %get3A_267 = vector.shape_cast %get3A_266 : vector<1x16xf32> to vector<16xf32>
            %mul3A_268 = arith.constant 16 : i32
            %mul3A_269 = arith.muli %scan3A_261, %mul3A_268 : i32
            %get3A_270 = arith.constant 4 : i32
            %get3A_271 = arith.index_cast %get3A_270 : i32 to index
            %get3A_272 = arith.index_cast %mul3A_269 : i32 to index
            %get3A_273 = tpu.vector_load %arg7[%get3A_271, %get3A_272] {strides = array<i32>} : memref<16x1280xf32, #tpu.memory_space<vmem>>, vector<1x16xf32>,
            %get3A_274 = vector.shape_cast %get3A_273 : vector<1x16xf32> to vector<16xf32>
            %add3A_275 = arith.addf %get3A_267, %get3A_274 : vector<16xf32>
            %mul3A_276 = arith.constant 16 : i32
            %mul3A_277 = arith.muli %scan3A_261, %mul3A_276 : i32
            %swap3A = arith.index_cast %sub3A_143 : i32 to index
            %swap3A_278 = arith.index_cast %mul3A_277 : i32 to index
            %swap3A_279 = tpu.vector_load %arg9[%swap3A, %swap3A_278] {strides = array<i32>} : memref<32x1280xf32, #tpu.memory_space<vmem>>, vector<1x16xf32>,
            %swap3A_280 = vector.shape_cast %swap3A_279 : vector<1x16xf32> to vector<16xf32>
            %swap3A_281 = vector.shape_cast %add3A_275 : vector<16xf32> to vector<1x16xf32>
            tpu.vector_store %arg9[%swap3A, %swap3A_278], %swap3A_281 {strides = array<i32>} : memref<32x1280xf32, #tpu.memory_space<vmem>>, vector<1x16xf32>,
          }
          %scan3A_260 = arith.constant 80 : i32
        } else {
        }
        %sub3A_152 = arith.subi %squeeze3A_12, %mul3A_105 : i32
        %ge3A_153 = arith.cmpi sge, %squeeze3A_12, %mul3A_105 : i32
        %add3A_154 = arith.constant 32 : i32
        %add3A_155 = arith.addi %mul3A_105, %add3A_154 : i32
        %lt3A_156 = arith.cmpi slt, %squeeze3A_12, %add3A_155 : i32
        %and3A_157 = arith.andi %ge3A_153, %lt3A_156 : i1
        %convert_element_type3A_158 = arith.extui %and3A_157 : i1 to i32
        %cond3A_159 = arith.constant 0 : i32
        %cond3A_160 = arith.cmpi ne, %convert_element_type3A_158, %cond3A_159 : i32
        scf.if %cond3A_160 {
          %scan3A_255 = arith.constant 0 : i32
          %scan3A_256 = arith.constant 0 : i32
          %scan3A_257 = arith.constant 80 : i32
          %scan3A_258 = arith.addi %scan3A_256, %scan3A_257 : i32
          %scan3A_259 = arith.constant 1 : i32
          scf.for %scan3A_261 = %scan3A_256 to %scan3A_258 step %scan3A_259  : i32 {
            %mul3A_262 = arith.constant 16 : i32
            %mul3A_263 = arith.muli %scan3A_261, %mul3A_262 : i32
            %get3A_264 = arith.index_cast %sub3A_152 : i32 to index
            %get3A_265 = arith.index_cast %mul3A_263 : i32 to index
            %get3A_266 = tpu.vector_load %arg9[%get3A_264, %get3A_265] {strides = array<i32>} : memref<32x1280xf32, #tpu.memory_space<vmem>>, vector<1x16xf32>,
            %get3A_267 = vector.shape_cast %get3A_266 : vector<1x16xf32> to vector<16xf32>
            %mul3A_268 = arith.constant 16 : i32
            %mul3A_269 = arith.muli %scan3A_261, %mul3A_268 : i32
            %get3A_270 = arith.constant 5 : i32
            %get3A_271 = arith.index_cast %get3A_270 : i32 to index
            %get3A_272 = arith.index_cast %mul3A_269 : i32 to index
            %get3A_273 = tpu.vector_load %arg7[%get3A_271, %get3A_272] {strides = array<i32>} : memref<16x1280xf32, #tpu.memory_space<vmem>>, vector<1x16xf32>,
            %get3A_274 = vector.shape_cast %get3A_273 : vector<1x16xf32> to vector<16xf32>
            %add3A_275 = arith.addf %get3A_267, %get3A_274 : vector<16xf32>
            %mul3A_276 = arith.constant 16 : i32
            %mul3A_277 = arith.muli %scan3A_261, %mul3A_276 : i32
            %swap3A = arith.index_cast %sub3A_152 : i32 to index
            %swap3A_278 = arith.index_cast %mul3A_277 : i32 to index
            %swap3A_279 = tpu.vector_load %arg9[%swap3A, %swap3A_278] {strides = array<i32>} : memref<32x1280xf32, #tpu.memory_space<vmem>>, vector<1x16xf32>,
            %swap3A_280 = vector.shape_cast %swap3A_279 : vector<1x16xf32> to vector<16xf32>
            %swap3A_281 = vector.shape_cast %add3A_275 : vector<16xf32> to vector<1x16xf32>
            tpu.vector_store %arg9[%swap3A, %swap3A_278], %swap3A_281 {strides = array<i32>} : memref<32x1280xf32, #tpu.memory_space<vmem>>, vector<1x16xf32>,
          }
          %scan3A_260 = arith.constant 80 : i32
        } else {
        }
        %sub3A_161 = arith.subi %squeeze3A_14, %mul3A_105 : i32
        %ge3A_162 = arith.cmpi sge, %squeeze3A_14, %mul3A_105 : i32
        %add3A_163 = arith.constant 32 : i32
        %add3A_164 = arith.addi %mul3A_105, %add3A_163 : i32
        %lt3A_165 = arith.cmpi slt, %squeeze3A_14, %add3A_164 : i32
        %and3A_166 = arith.andi %ge3A_162, %lt3A_165 : i1
        %convert_element_type3A_167 = arith.extui %and3A_166 : i1 to i32
        %cond3A_168 = arith.constant 0 : i32
        %cond3A_169 = arith.cmpi ne, %convert_element_type3A_167, %cond3A_168 : i32
        scf.if %cond3A_169 {
          %scan3A_255 = arith.constant 0 : i32
          %scan3A_256 = arith.constant 0 : i32
          %scan3A_257 = arith.constant 80 : i32
          %scan3A_258 = arith.addi %scan3A_256, %scan3A_257 : i32
          %scan3A_259 = arith.constant 1 : i32
          scf.for %scan3A_261 = %scan3A_256 to %scan3A_258 step %scan3A_259  : i32 {
            %mul3A_262 = arith.constant 16 : i32
            %mul3A_263 = arith.muli %scan3A_261, %mul3A_262 : i32
            %get3A_264 = arith.index_cast %sub3A_161 : i32 to index
            %get3A_265 = arith.index_cast %mul3A_263 : i32 to index
            %get3A_266 = tpu.vector_load %arg9[%get3A_264, %get3A_265] {strides = array<i32>} : memref<32x1280xf32, #tpu.memory_space<vmem>>, vector<1x16xf32>,
            %get3A_267 = vector.shape_cast %get3A_266 : vector<1x16xf32> to vector<16xf32>
            %mul3A_268 = arith.constant 16 : i32
            %mul3A_269 = arith.muli %scan3A_261, %mul3A_268 : i32
            %get3A_270 = arith.constant 6 : i32
            %get3A_271 = arith.index_cast %get3A_270 : i32 to index
            %get3A_272 = arith.index_cast %mul3A_269 : i32 to index
            %get3A_273 = tpu.vector_load %arg7[%get3A_271, %get3A_272] {strides = array<i32>} : memref<16x1280xf32, #tpu.memory_space<vmem>>, vector<1x16xf32>,
            %get3A_274 = vector.shape_cast %get3A_273 : vector<1x16xf32> to vector<16xf32>
            %add3A_275 = arith.addf %get3A_267, %get3A_274 : vector<16xf32>
            %mul3A_276 = arith.constant 16 : i32
            %mul3A_277 = arith.muli %scan3A_261, %mul3A_276 : i32
            %swap3A = arith.index_cast %sub3A_161 : i32 to index
            %swap3A_278 = arith.index_cast %mul3A_277 : i32 to index
            %swap3A_279 = tpu.vector_load %arg9[%swap3A, %swap3A_278] {strides = array<i32>} : memref<32x1280xf32, #tpu.memory_space<vmem>>, vector<1x16xf32>,
            %swap3A_280 = vector.shape_cast %swap3A_279 : vector<1x16xf32> to vector<16xf32>
            %swap3A_281 = vector.shape_cast %add3A_275 : vector<16xf32> to vector<1x16xf32>
            tpu.vector_store %arg9[%swap3A, %swap3A_278], %swap3A_281 {strides = array<i32>} : memref<32x1280xf32, #tpu.memory_space<vmem>>, vector<1x16xf32>,
          }
          %scan3A_260 = arith.constant 80 : i32
        } else {
        }
        %sub3A_170 = arith.subi %squeeze3A_16, %mul3A_105 : i32
        %ge3A_171 = arith.cmpi sge, %squeeze3A_16, %mul3A_105 : i32
        %add3A_172 = arith.constant 32 : i32
        %add3A_173 = arith.addi %mul3A_105, %add3A_172 : i32
        %lt3A_174 = arith.cmpi slt, %squeeze3A_16, %add3A_173 : i32
        %and3A_175 = arith.andi %ge3A_171, %lt3A_174 : i1
        %convert_element_type3A_176 = arith.extui %and3A_175 : i1 to i32
        %cond3A_177 = arith.constant 0 : i32
        %cond3A_178 = arith.cmpi ne, %convert_element_type3A_176, %cond3A_177 : i32
        scf.if %cond3A_178 {
          %scan3A_255 = arith.constant 0 : i32
          %scan3A_256 = arith.constant 0 : i32
          %scan3A_257 = arith.constant 80 : i32
          %scan3A_258 = arith.addi %scan3A_256, %scan3A_257 : i32
          %scan3A_259 = arith.constant 1 : i32
          scf.for %scan3A_261 = %scan3A_256 to %scan3A_258 step %scan3A_259  : i32 {
            %mul3A_262 = arith.constant 16 : i32
            %mul3A_263 = arith.muli %scan3A_261, %mul3A_262 : i32
            %get3A_264 = arith.index_cast %sub3A_170 : i32 to index
            %get3A_265 = arith.index_cast %mul3A_263 : i32 to index
            %get3A_266 = tpu.vector_load %arg9[%get3A_264, %get3A_265] {strides = array<i32>} : memref<32x1280xf32, #tpu.memory_space<vmem>>, vector<1x16xf32>,
            %get3A_267 = vector.shape_cast %get3A_266 : vector<1x16xf32> to vector<16xf32>
            %mul3A_268 = arith.constant 16 : i32
            %mul3A_269 = arith.muli %scan3A_261, %mul3A_268 : i32
            %get3A_270 = arith.constant 7 : i32
            %get3A_271 = arith.index_cast %get3A_270 : i32 to index
            %get3A_272 = arith.index_cast %mul3A_269 : i32 to index
            %get3A_273 = tpu.vector_load %arg7[%get3A_271, %get3A_272] {strides = array<i32>} : memref<16x1280xf32, #tpu.memory_space<vmem>>, vector<1x16xf32>,
            %get3A_274 = vector.shape_cast %get3A_273 : vector<1x16xf32> to vector<16xf32>
            %add3A_275 = arith.addf %get3A_267, %get3A_274 : vector<16xf32>
            %mul3A_276 = arith.constant 16 : i32
            %mul3A_277 = arith.muli %scan3A_261, %mul3A_276 : i32
            %swap3A = arith.index_cast %sub3A_170 : i32 to index
            %swap3A_278 = arith.index_cast %mul3A_277 : i32 to index
            %swap3A_279 = tpu.vector_load %arg9[%swap3A, %swap3A_278] {strides = array<i32>} : memref<32x1280xf32, #tpu.memory_space<vmem>>, vector<1x16xf32>,
            %swap3A_280 = vector.shape_cast %swap3A_279 : vector<1x16xf32> to vector<16xf32>
            %swap3A_281 = vector.shape_cast %add3A_275 : vector<16xf32> to vector<1x16xf32>
            tpu.vector_store %arg9[%swap3A, %swap3A_278], %swap3A_281 {strides = array<i32>} : memref<32x1280xf32, #tpu.memory_space<vmem>>, vector<1x16xf32>,
          }
          %scan3A_260 = arith.constant 80 : i32
        } else {
        }
        %sub3A_179 = arith.subi %squeeze3A_18, %mul3A_105 : i32
        %ge3A_180 = arith.cmpi sge, %squeeze3A_18, %mul3A_105 : i32
        %add3A_181 = arith.constant 32 : i32
        %add3A_182 = arith.addi %mul3A_105, %add3A_181 : i32
        %lt3A_183 = arith.cmpi slt, %squeeze3A_18, %add3A_182 : i32
        %and3A_184 = arith.andi %ge3A_180, %lt3A_183 : i1
        %convert_element_type3A_185 = arith.extui %and3A_184 : i1 to i32
        %cond3A_186 = arith.constant 0 : i32
        %cond3A_187 = arith.cmpi ne, %convert_element_type3A_185, %cond3A_186 : i32
        scf.if %cond3A_187 {
          %scan3A_255 = arith.constant 0 : i32
          %scan3A_256 = arith.constant 0 : i32
          %scan3A_257 = arith.constant 80 : i32
          %scan3A_258 = arith.addi %scan3A_256, %scan3A_257 : i32
          %scan3A_259 = arith.constant 1 : i32
          scf.for %scan3A_261 = %scan3A_256 to %scan3A_258 step %scan3A_259  : i32 {
            %mul3A_262 = arith.constant 16 : i32
            %mul3A_263 = arith.muli %scan3A_261, %mul3A_262 : i32
            %get3A_264 = arith.index_cast %sub3A_179 : i32 to index
            %get3A_265 = arith.index_cast %mul3A_263 : i32 to index
            %get3A_266 = tpu.vector_load %arg9[%get3A_264, %get3A_265] {strides = array<i32>} : memref<32x1280xf32, #tpu.memory_space<vmem>>, vector<1x16xf32>,
            %get3A_267 = vector.shape_cast %get3A_266 : vector<1x16xf32> to vector<16xf32>
            %mul3A_268 = arith.constant 16 : i32
            %mul3A_269 = arith.muli %scan3A_261, %mul3A_268 : i32
            %get3A_270 = arith.constant 8 : i32
            %get3A_271 = arith.index_cast %get3A_270 : i32 to index
            %get3A_272 = arith.index_cast %mul3A_269 : i32 to index
            %get3A_273 = tpu.vector_load %arg7[%get3A_271, %get3A_272] {strides = array<i32>} : memref<16x1280xf32, #tpu.memory_space<vmem>>, vector<1x16xf32>,
            %get3A_274 = vector.shape_cast %get3A_273 : vector<1x16xf32> to vector<16xf32>
            %add3A_275 = arith.addf %get3A_267, %get3A_274 : vector<16xf32>
            %mul3A_276 = arith.constant 16 : i32
            %mul3A_277 = arith.muli %scan3A_261, %mul3A_276 : i32
            %swap3A = arith.index_cast %sub3A_179 : i32 to index
            %swap3A_278 = arith.index_cast %mul3A_277 : i32 to index
            %swap3A_279 = tpu.vector_load %arg9[%swap3A, %swap3A_278] {strides = array<i32>} : memref<32x1280xf32, #tpu.memory_space<vmem>>, vector<1x16xf32>,
            %swap3A_280 = vector.shape_cast %swap3A_279 : vector<1x16xf32> to vector<16xf32>
            %swap3A_281 = vector.shape_cast %add3A_275 : vector<16xf32> to vector<1x16xf32>
            tpu.vector_store %arg9[%swap3A, %swap3A_278], %swap3A_281 {strides = array<i32>} : memref<32x1280xf32, #tpu.memory_space<vmem>>, vector<1x16xf32>,
          }
          %scan3A_260 = arith.constant 80 : i32
        } else {
        }
        %sub3A_188 = arith.subi %squeeze3A_20, %mul3A_105 : i32
        %ge3A_189 = arith.cmpi sge, %squeeze3A_20, %mul3A_105 : i32
        %add3A_190 = arith.constant 32 : i32
        %add3A_191 = arith.addi %mul3A_105, %add3A_190 : i32
        %lt3A_192 = arith.cmpi slt, %squeeze3A_20, %add3A_191 : i32
        %and3A_193 = arith.andi %ge3A_189, %lt3A_192 : i1
        %convert_element_type3A_194 = arith.extui %and3A_193 : i1 to i32
        %cond3A_195 = arith.constant 0 : i32
        %cond3A_196 = arith.cmpi ne, %convert_element_type3A_194, %cond3A_195 : i32
        scf.if %cond3A_196 {
          %scan3A_255 = arith.constant 0 : i32
          %scan3A_256 = arith.constant 0 : i32
          %scan3A_257 = arith.constant 80 : i32
          %scan3A_258 = arith.addi %scan3A_256, %scan3A_257 : i32
          %scan3A_259 = arith.constant 1 : i32
          scf.for %scan3A_261 = %scan3A_256 to %scan3A_258 step %scan3A_259  : i32 {
            %mul3A_262 = arith.constant 16 : i32
            %mul3A_263 = arith.muli %scan3A_261, %mul3A_262 : i32
            %get3A_264 = arith.index_cast %sub3A_188 : i32 to index
            %get3A_265 = arith.index_cast %mul3A_263 : i32 to index
            %get3A_266 = tpu.vector_load %arg9[%get3A_264, %get3A_265] {strides = array<i32>} : memref<32x1280xf32, #tpu.memory_space<vmem>>, vector<1x16xf32>,
            %get3A_267 = vector.shape_cast %get3A_266 : vector<1x16xf32> to vector<16xf32>
            %mul3A_268 = arith.constant 16 : i32
            %mul3A_269 = arith.muli %scan3A_261, %mul3A_268 : i32
            %get3A_270 = arith.constant 9 : i32
            %get3A_271 = arith.index_cast %get3A_270 : i32 to index
            %get3A_272 = arith.index_cast %mul3A_269 : i32 to index
            %get3A_273 = tpu.vector_load %arg7[%get3A_271, %get3A_272] {strides = array<i32>} : memref<16x1280xf32, #tpu.memory_space<vmem>>, vector<1x16xf32>,
            %get3A_274 = vector.shape_cast %get3A_273 : vector<1x16xf32> to vector<16xf32>
            %add3A_275 = arith.addf %get3A_267, %get3A_274 : vector<16xf32>
            %mul3A_276 = arith.constant 16 : i32
            %mul3A_277 = arith.muli %scan3A_261, %mul3A_276 : i32
            %swap3A = arith.index_cast %sub3A_188 : i32 to index
            %swap3A_278 = arith.index_cast %mul3A_277 : i32 to index
            %swap3A_279 = tpu.vector_load %arg9[%swap3A, %swap3A_278] {strides = array<i32>} : memref<32x1280xf32, #tpu.memory_space<vmem>>, vector<1x16xf32>,
            %swap3A_280 = vector.shape_cast %swap3A_279 : vector<1x16xf32> to vector<16xf32>
            %swap3A_281 = vector.shape_cast %add3A_275 : vector<16xf32> to vector<1x16xf32>
            tpu.vector_store %arg9[%swap3A, %swap3A_278], %swap3A_281 {strides = array<i32>} : memref<32x1280xf32, #tpu.memory_space<vmem>>, vector<1x16xf32>,
          }
          %scan3A_260 = arith.constant 80 : i32
        } else {
        }
        %sub3A_197 = arith.subi %squeeze3A_22, %mul3A_105 : i32
        %ge3A_198 = arith.cmpi sge, %squeeze3A_22, %mul3A_105 : i32
        %add3A_199 = arith.constant 32 : i32
        %add3A_200 = arith.addi %mul3A_105, %add3A_199 : i32
        %lt3A_201 = arith.cmpi slt, %squeeze3A_22, %add3A_200 : i32
        %and3A_202 = arith.andi %ge3A_198, %lt3A_201 : i1
        %convert_element_type3A_203 = arith.extui %and3A_202 : i1 to i32
        %cond3A_204 = arith.constant 0 : i32
        %cond3A_205 = arith.cmpi ne, %convert_element_type3A_203, %cond3A_204 : i32
        scf.if %cond3A_205 {
          %scan3A_255 = arith.constant 0 : i32
          %scan3A_256 = arith.constant 0 : i32
          %scan3A_257 = arith.constant 80 : i32
          %scan3A_258 = arith.addi %scan3A_256, %scan3A_257 : i32
          %scan3A_259 = arith.constant 1 : i32
          scf.for %scan3A_261 = %scan3A_256 to %scan3A_258 step %scan3A_259  : i32 {
            %mul3A_262 = arith.constant 16 : i32
            %mul3A_263 = arith.muli %scan3A_261, %mul3A_262 : i32
            %get3A_264 = arith.index_cast %sub3A_197 : i32 to index
            %get3A_265 = arith.index_cast %mul3A_263 : i32 to index
            %get3A_266 = tpu.vector_load %arg9[%get3A_264, %get3A_265] {strides = array<i32>} : memref<32x1280xf32, #tpu.memory_space<vmem>>, vector<1x16xf32>,
            %get3A_267 = vector.shape_cast %get3A_266 : vector<1x16xf32> to vector<16xf32>
            %mul3A_268 = arith.constant 16 : i32
            %mul3A_269 = arith.muli %scan3A_261, %mul3A_268 : i32
            %get3A_270 = arith.constant 10 : i32
            %get3A_271 = arith.index_cast %get3A_270 : i32 to index
            %get3A_272 = arith.index_cast %mul3A_269 : i32 to index
            %get3A_273 = tpu.vector_load %arg7[%get3A_271, %get3A_272] {strides = array<i32>} : memref<16x1280xf32, #tpu.memory_space<vmem>>, vector<1x16xf32>,
            %get3A_274 = vector.shape_cast %get3A_273 : vector<1x16xf32> to vector<16xf32>
            %add3A_275 = arith.addf %get3A_267, %get3A_274 : vector<16xf32>
            %mul3A_276 = arith.constant 16 : i32
            %mul3A_277 = arith.muli %scan3A_261, %mul3A_276 : i32
            %swap3A = arith.index_cast %sub3A_197 : i32 to index
            %swap3A_278 = arith.index_cast %mul3A_277 : i32 to index
            %swap3A_279 = tpu.vector_load %arg9[%swap3A, %swap3A_278] {strides = array<i32>} : memref<32x1280xf32, #tpu.memory_space<vmem>>, vector<1x16xf32>,
            %swap3A_280 = vector.shape_cast %swap3A_279 : vector<1x16xf32> to vector<16xf32>
            %swap3A_281 = vector.shape_cast %add3A_275 : vector<16xf32> to vector<1x16xf32>
            tpu.vector_store %arg9[%swap3A, %swap3A_278], %swap3A_281 {strides = array<i32>} : memref<32x1280xf32, #tpu.memory_space<vmem>>, vector<1x16xf32>,
          }
          %scan3A_260 = arith.constant 80 : i32
        } else {
        }
        %sub3A_206 = arith.subi %squeeze3A_24, %mul3A_105 : i32
        %ge3A_207 = arith.cmpi sge, %squeeze3A_24, %mul3A_105 : i32
        %add3A_208 = arith.constant 32 : i32
        %add3A_209 = arith.addi %mul3A_105, %add3A_208 : i32
        %lt3A_210 = arith.cmpi slt, %squeeze3A_24, %add3A_209 : i32
        %and3A_211 = arith.andi %ge3A_207, %lt3A_210 : i1
        %convert_element_type3A_212 = arith.extui %and3A_211 : i1 to i32
        %cond3A_213 = arith.constant 0 : i32
        %cond3A_214 = arith.cmpi ne, %convert_element_type3A_212, %cond3A_213 : i32
        scf.if %cond3A_214 {
          %scan3A_255 = arith.constant 0 : i32
          %scan3A_256 = arith.constant 0 : i32
          %scan3A_257 = arith.constant 80 : i32
          %scan3A_258 = arith.addi %scan3A_256, %scan3A_257 : i32
          %scan3A_259 = arith.constant 1 : i32
          scf.for %scan3A_261 = %scan3A_256 to %scan3A_258 step %scan3A_259  : i32 {
            %mul3A_262 = arith.constant 16 : i32
            %mul3A_263 = arith.muli %scan3A_261, %mul3A_262 : i32
            %get3A_264 = arith.index_cast %sub3A_206 : i32 to index
            %get3A_265 = arith.index_cast %mul3A_263 : i32 to index
            %get3A_266 = tpu.vector_load %arg9[%get3A_264, %get3A_265] {strides = array<i32>} : memref<32x1280xf32, #tpu.memory_space<vmem>>, vector<1x16xf32>,
            %get3A_267 = vector.shape_cast %get3A_266 : vector<1x16xf32> to vector<16xf32>
            %mul3A_268 = arith.constant 16 : i32
            %mul3A_269 = arith.muli %scan3A_261, %mul3A_268 : i32
            %get3A_270 = arith.constant 11 : i32
            %get3A_271 = arith.index_cast %get3A_270 : i32 to index
            %get3A_272 = arith.index_cast %mul3A_269 : i32 to index
            %get3A_273 = tpu.vector_load %arg7[%get3A_271, %get3A_272] {strides = array<i32>} : memref<16x1280xf32, #tpu.memory_space<vmem>>, vector<1x16xf32>,
            %get3A_274 = vector.shape_cast %get3A_273 : vector<1x16xf32> to vector<16xf32>
            %add3A_275 = arith.addf %get3A_267, %get3A_274 : vector<16xf32>
            %mul3A_276 = arith.constant 16 : i32
            %mul3A_277 = arith.muli %scan3A_261, %mul3A_276 : i32
            %swap3A = arith.index_cast %sub3A_206 : i32 to index
            %swap3A_278 = arith.index_cast %mul3A_277 : i32 to index
            %swap3A_279 = tpu.vector_load %arg9[%swap3A, %swap3A_278] {strides = array<i32>} : memref<32x1280xf32, #tpu.memory_space<vmem>>, vector<1x16xf32>,
            %swap3A_280 = vector.shape_cast %swap3A_279 : vector<1x16xf32> to vector<16xf32>
            %swap3A_281 = vector.shape_cast %add3A_275 : vector<16xf32> to vector<1x16xf32>
            tpu.vector_store %arg9[%swap3A, %swap3A_278], %swap3A_281 {strides = array<i32>} : memref<32x1280xf32, #tpu.memory_space<vmem>>, vector<1x16xf32>,
          }
          %scan3A_260 = arith.constant 80 : i32
        } else {
        }
        %sub3A_215 = arith.subi %squeeze3A_26, %mul3A_105 : i32
        %ge3A_216 = arith.cmpi sge, %squeeze3A_26, %mul3A_105 : i32
        %add3A_217 = arith.constant 32 : i32
        %add3A_218 = arith.addi %mul3A_105, %add3A_217 : i32
        %lt3A_219 = arith.cmpi slt, %squeeze3A_26, %add3A_218 : i32
        %and3A_220 = arith.andi %ge3A_216, %lt3A_219 : i1
        %convert_element_type3A_221 = arith.extui %and3A_220 : i1 to i32
        %cond3A_222 = arith.constant 0 : i32
        %cond3A_223 = arith.cmpi ne, %convert_element_type3A_221, %cond3A_222 : i32
        scf.if %cond3A_223 {
          %scan3A_255 = arith.constant 0 : i32
          %scan3A_256 = arith.constant 0 : i32
          %scan3A_257 = arith.constant 80 : i32
          %scan3A_258 = arith.addi %scan3A_256, %scan3A_257 : i32
          %scan3A_259 = arith.constant 1 : i32
          scf.for %scan3A_261 = %scan3A_256 to %scan3A_258 step %scan3A_259  : i32 {
            %mul3A_262 = arith.constant 16 : i32
            %mul3A_263 = arith.muli %scan3A_261, %mul3A_262 : i32
            %get3A_264 = arith.index_cast %sub3A_215 : i32 to index
            %get3A_265 = arith.index_cast %mul3A_263 : i32 to index
            %get3A_266 = tpu.vector_load %arg9[%get3A_264, %get3A_265] {strides = array<i32>} : memref<32x1280xf32, #tpu.memory_space<vmem>>, vector<1x16xf32>,
            %get3A_267 = vector.shape_cast %get3A_266 : vector<1x16xf32> to vector<16xf32>
            %mul3A_268 = arith.constant 16 : i32
            %mul3A_269 = arith.muli %scan3A_261, %mul3A_268 : i32
            %get3A_270 = arith.constant 12 : i32
            %get3A_271 = arith.index_cast %get3A_270 : i32 to index
            %get3A_272 = arith.index_cast %mul3A_269 : i32 to index
            %get3A_273 = tpu.vector_load %arg7[%get3A_271, %get3A_272] {strides = array<i32>} : memref<16x1280xf32, #tpu.memory_space<vmem>>, vector<1x16xf32>,
            %get3A_274 = vector.shape_cast %get3A_273 : vector<1x16xf32> to vector<16xf32>
            %add3A_275 = arith.addf %get3A_267, %get3A_274 : vector<16xf32>
            %mul3A_276 = arith.constant 16 : i32
            %mul3A_277 = arith.muli %scan3A_261, %mul3A_276 : i32
            %swap3A = arith.index_cast %sub3A_215 : i32 to index
            %swap3A_278 = arith.index_cast %mul3A_277 : i32 to index
            %swap3A_279 = tpu.vector_load %arg9[%swap3A, %swap3A_278] {strides = array<i32>} : memref<32x1280xf32, #tpu.memory_space<vmem>>, vector<1x16xf32>,
            %swap3A_280 = vector.shape_cast %swap3A_279 : vector<1x16xf32> to vector<16xf32>
            %swap3A_281 = vector.shape_cast %add3A_275 : vector<16xf32> to vector<1x16xf32>
            tpu.vector_store %arg9[%swap3A, %swap3A_278], %swap3A_281 {strides = array<i32>} : memref<32x1280xf32, #tpu.memory_space<vmem>>, vector<1x16xf32>,
          }
          %scan3A_260 = arith.constant 80 : i32
        } else {
        }
        %sub3A_224 = arith.subi %squeeze3A_28, %mul3A_105 : i32
        %ge3A_225 = arith.cmpi sge, %squeeze3A_28, %mul3A_105 : i32
        %add3A_226 = arith.constant 32 : i32
        %add3A_227 = arith.addi %mul3A_105, %add3A_226 : i32
        %lt3A_228 = arith.cmpi slt, %squeeze3A_28, %add3A_227 : i32
        %and3A_229 = arith.andi %ge3A_225, %lt3A_228 : i1
        %convert_element_type3A_230 = arith.extui %and3A_229 : i1 to i32
        %cond3A_231 = arith.constant 0 : i32
        %cond3A_232 = arith.cmpi ne, %convert_element_type3A_230, %cond3A_231 : i32
        scf.if %cond3A_232 {
          %scan3A_255 = arith.constant 0 : i32
          %scan3A_256 = arith.constant 0 : i32
          %scan3A_257 = arith.constant 80 : i32
          %scan3A_258 = arith.addi %scan3A_256, %scan3A_257 : i32
          %scan3A_259 = arith.constant 1 : i32
          scf.for %scan3A_261 = %scan3A_256 to %scan3A_258 step %scan3A_259  : i32 {
            %mul3A_262 = arith.constant 16 : i32
            %mul3A_263 = arith.muli %scan3A_261, %mul3A_262 : i32
            %get3A_264 = arith.index_cast %sub3A_224 : i32 to index
            %get3A_265 = arith.index_cast %mul3A_263 : i32 to index
            %get3A_266 = tpu.vector_load %arg9[%get3A_264, %get3A_265] {strides = array<i32>} : memref<32x1280xf32, #tpu.memory_space<vmem>>, vector<1x16xf32>,
            %get3A_267 = vector.shape_cast %get3A_266 : vector<1x16xf32> to vector<16xf32>
            %mul3A_268 = arith.constant 16 : i32
            %mul3A_269 = arith.muli %scan3A_261, %mul3A_268 : i32
            %get3A_270 = arith.constant 13 : i32
            %get3A_271 = arith.index_cast %get3A_270 : i32 to index
            %get3A_272 = arith.index_cast %mul3A_269 : i32 to index
            %get3A_273 = tpu.vector_load %arg7[%get3A_271, %get3A_272] {strides = array<i32>} : memref<16x1280xf32, #tpu.memory_space<vmem>>, vector<1x16xf32>,
            %get3A_274 = vector.shape_cast %get3A_273 : vector<1x16xf32> to vector<16xf32>
            %add3A_275 = arith.addf %get3A_267, %get3A_274 : vector<16xf32>
            %mul3A_276 = arith.constant 16 : i32
            %mul3A_277 = arith.muli %scan3A_261, %mul3A_276 : i32
            %swap3A = arith.index_cast %sub3A_224 : i32 to index
            %swap3A_278 = arith.index_cast %mul3A_277 : i32 to index
            %swap3A_279 = tpu.vector_load %arg9[%swap3A, %swap3A_278] {strides = array<i32>} : memref<32x1280xf32, #tpu.memory_space<vmem>>, vector<1x16xf32>,
            %swap3A_280 = vector.shape_cast %swap3A_279 : vector<1x16xf32> to vector<16xf32>
            %swap3A_281 = vector.shape_cast %add3A_275 : vector<16xf32> to vector<1x16xf32>
            tpu.vector_store %arg9[%swap3A, %swap3A_278], %swap3A_281 {strides = array<i32>} : memref<32x1280xf32, #tpu.memory_space<vmem>>, vector<1x16xf32>,
          }
          %scan3A_260 = arith.constant 80 : i32
        } else {
        }
        %sub3A_233 = arith.subi %squeeze3A_30, %mul3A_105 : i32
        %ge3A_234 = arith.cmpi sge, %squeeze3A_30, %mul3A_105 : i32
        %add3A_235 = arith.constant 32 : i32
        %add3A_236 = arith.addi %mul3A_105, %add3A_235 : i32
        %lt3A_237 = arith.cmpi slt, %squeeze3A_30, %add3A_236 : i32
        %and3A_238 = arith.andi %ge3A_234, %lt3A_237 : i1
        %convert_element_type3A_239 = arith.extui %and3A_238 : i1 to i32
        %cond3A_240 = arith.constant 0 : i32
        %cond3A_241 = arith.cmpi ne, %convert_element_type3A_239, %cond3A_240 : i32
        scf.if %cond3A_241 {
          %scan3A_255 = arith.constant 0 : i32
          %scan3A_256 = arith.constant 0 : i32
          %scan3A_257 = arith.constant 80 : i32
          %scan3A_258 = arith.addi %scan3A_256, %scan3A_257 : i32
          %scan3A_259 = arith.constant 1 : i32
          scf.for %scan3A_261 = %scan3A_256 to %scan3A_258 step %scan3A_259  : i32 {
            %mul3A_262 = arith.constant 16 : i32
            %mul3A_263 = arith.muli %scan3A_261, %mul3A_262 : i32
            %get3A_264 = arith.index_cast %sub3A_233 : i32 to index
            %get3A_265 = arith.index_cast %mul3A_263 : i32 to index
            %get3A_266 = tpu.vector_load %arg9[%get3A_264, %get3A_265] {strides = array<i32>} : memref<32x1280xf32, #tpu.memory_space<vmem>>, vector<1x16xf32>,
            %get3A_267 = vector.shape_cast %get3A_266 : vector<1x16xf32> to vector<16xf32>
            %mul3A_268 = arith.constant 16 : i32
            %mul3A_269 = arith.muli %scan3A_261, %mul3A_268 : i32
            %get3A_270 = arith.constant 14 : i32
            %get3A_271 = arith.index_cast %get3A_270 : i32 to index
            %get3A_272 = arith.index_cast %mul3A_269 : i32 to index
            %get3A_273 = tpu.vector_load %arg7[%get3A_271, %get3A_272] {strides = array<i32>} : memref<16x1280xf32, #tpu.memory_space<vmem>>, vector<1x16xf32>,
            %get3A_274 = vector.shape_cast %get3A_273 : vector<1x16xf32> to vector<16xf32>
            %add3A_275 = arith.addf %get3A_267, %get3A_274 : vector<16xf32>
            %mul3A_276 = arith.constant 16 : i32
            %mul3A_277 = arith.muli %scan3A_261, %mul3A_276 : i32
            %swap3A = arith.index_cast %sub3A_233 : i32 to index
            %swap3A_278 = arith.index_cast %mul3A_277 : i32 to index
            %swap3A_279 = tpu.vector_load %arg9[%swap3A, %swap3A_278] {strides = array<i32>} : memref<32x1280xf32, #tpu.memory_space<vmem>>, vector<1x16xf32>,
            %swap3A_280 = vector.shape_cast %swap3A_279 : vector<1x16xf32> to vector<16xf32>
            %swap3A_281 = vector.shape_cast %add3A_275 : vector<16xf32> to vector<1x16xf32>
            tpu.vector_store %arg9[%swap3A, %swap3A_278], %swap3A_281 {strides = array<i32>} : memref<32x1280xf32, #tpu.memory_space<vmem>>, vector<1x16xf32>,
          }
          %scan3A_260 = arith.constant 80 : i32
        } else {
        }
        %sub3A_242 = arith.subi %squeeze3A_32, %mul3A_105 : i32
        %ge3A_243 = arith.cmpi sge, %squeeze3A_32, %mul3A_105 : i32
        %add3A_244 = arith.constant 32 : i32
        %add3A_245 = arith.addi %mul3A_105, %add3A_244 : i32
        %lt3A_246 = arith.cmpi slt, %squeeze3A_32, %add3A_245 : i32
        %and3A_247 = arith.andi %ge3A_243, %lt3A_246 : i1
        %convert_element_type3A_248 = arith.extui %and3A_247 : i1 to i32
        %cond3A_249 = arith.constant 0 : i32
        %cond3A_250 = arith.cmpi ne, %convert_element_type3A_248, %cond3A_249 : i32
        scf.if %cond3A_250 {
          %scan3A_255 = arith.constant 0 : i32
          %scan3A_256 = arith.constant 0 : i32
          %scan3A_257 = arith.constant 80 : i32
          %scan3A_258 = arith.addi %scan3A_256, %scan3A_257 : i32
          %scan3A_259 = arith.constant 1 : i32
          scf.for %scan3A_261 = %scan3A_256 to %scan3A_258 step %scan3A_259  : i32 {
            %mul3A_262 = arith.constant 16 : i32
            %mul3A_263 = arith.muli %scan3A_261, %mul3A_262 : i32
            %get3A_264 = arith.index_cast %sub3A_242 : i32 to index
            %get3A_265 = arith.index_cast %mul3A_263 : i32 to index
            %get3A_266 = tpu.vector_load %arg9[%get3A_264, %get3A_265] {strides = array<i32>} : memref<32x1280xf32, #tpu.memory_space<vmem>>, vector<1x16xf32>,
            %get3A_267 = vector.shape_cast %get3A_266 : vector<1x16xf32> to vector<16xf32>
            %mul3A_268 = arith.constant 16 : i32
            %mul3A_269 = arith.muli %scan3A_261, %mul3A_268 : i32
            %get3A_270 = arith.constant 15 : i32
            %get3A_271 = arith.index_cast %get3A_270 : i32 to index
            %get3A_272 = arith.index_cast %mul3A_269 : i32 to index
            %get3A_273 = tpu.vector_load %arg7[%get3A_271, %get3A_272] {strides = array<i32>} : memref<16x1280xf32, #tpu.memory_space<vmem>>, vector<1x16xf32>,
            %get3A_274 = vector.shape_cast %get3A_273 : vector<1x16xf32> to vector<16xf32>
            %add3A_275 = arith.addf %get3A_267, %get3A_274 : vector<16xf32>
            %mul3A_276 = arith.constant 16 : i32
            %mul3A_277 = arith.muli %scan3A_261, %mul3A_276 : i32
            %swap3A = arith.index_cast %sub3A_242 : i32 to index
            %swap3A_278 = arith.index_cast %mul3A_277 : i32 to index
            %swap3A_279 = tpu.vector_load %arg9[%swap3A, %swap3A_278] {strides = array<i32>} : memref<32x1280xf32, #tpu.memory_space<vmem>>, vector<1x16xf32>,
            %swap3A_280 = vector.shape_cast %swap3A_279 : vector<1x16xf32> to vector<16xf32>
            %swap3A_281 = vector.shape_cast %add3A_275 : vector<16xf32> to vector<1x16xf32>
            tpu.vector_store %arg9[%swap3A, %swap3A_278], %swap3A_281 {strides = array<i32>} : memref<32x1280xf32, #tpu.memory_space<vmem>>, vector<1x16xf32>,
          }
          %scan3A_260 = arith.constant 80 : i32
        } else {
        }
        %dma_start3A_251 = arith.constant 0 : i32
        %dma_start3A_252 = tpu.memref_slice %arg5[%mul3A_105, %dma_start3A_251] : memref<49408x1280xf32, #tpu.memory_space<hbm>> -> memref<32x1280xf32, #tpu.memory_space<hbm>>
        %dma_start3A_253 = arith.constant 0 : i32
        %dma_start3A_254 = tpu.memref_slice %arg5[%mul3A_105, %dma_start3A_253] : memref<49408x1280xf32, #tpu.memory_space<hbm>> -> memref<32x1280xf32, #tpu.memory_space<hbm>>
        tpu.enqueue_dma source(%arg9 : memref<32x1280xf32, #tpu.memory_space<vmem>>) target(%dma_start3A_254 : memref<32x1280xf32, #tpu.memory_space<hbm>>) target_semaphore(%arg13 : memref<!tpu.dma_semaphore, #tpu.memory_space<semaphore_mem>>)
      } else {
      }
      %add3A_94 = arith.constant 2 : i32
      %add3A_95 = arith.addi %add3A_85, %add3A_94 : i32
      %mul3A_96 = arith.constant 32 : i32
      %mul3A_97 = arith.muli %add3A_95, %mul3A_96 : i32
      %add3A_98 = arith.addi %add3A, %mul3A_97 : i32
      %lt3A_99 = arith.constant 1544 : i32
      %lt3A_100 = arith.cmpi slt, %add3A_98, %lt3A_99 : i32
      %convert_element_type3A_101 = arith.extui %lt3A_100 : i1 to i32
      %cond3A_102 = arith.constant 0 : i32
      %cond3A_103 = arith.cmpi ne, %convert_element_type3A_101, %cond3A_102 : i32
      scf.if %cond3A_103 {
        %mul3A_104 = arith.constant 32 : i32
        %mul3A_105 = arith.muli %add3A_88, %mul3A_104 : i32
        %dma_wait3A_106 = arith.constant 0 : i32
        %dma_wait3A_107 = tpu.memref_slice %arg5[%mul3A_105, %dma_wait3A_106] : memref<49408x1280xf32, #tpu.memory_space<hbm>> -> memref<32x1280xf32, #tpu.memory_space<hbm>>
        %dma_wait3A_108 = arith.constant 0 : i32
        %dma_wait3A_109 = tpu.memref_slice %arg5[%mul3A_105, %dma_wait3A_108] : memref<49408x1280xf32, #tpu.memory_space<hbm>> -> memref<32x1280xf32, #tpu.memory_space<hbm>>
        tpu.wait_dma2 semaphore(%arg13 : memref<!tpu.dma_semaphore, #tpu.memory_space<semaphore_mem>>) src(%arg9 : memref<32x1280xf32, #tpu.memory_space<vmem>>) dst(%dma_wait3A_109 : memref<32x1280xf32, #tpu.memory_space<hbm>>)
        %add3A_110 = arith.constant 2 : i32
        %add3A_111 = arith.addi %add3A_85, %add3A_110 : i32
        %mul3A_112 = arith.constant 32 : i32
        %mul3A_113 = arith.muli %add3A_111, %mul3A_112 : i32
        %add3A_114 = arith.addi %add3A, %mul3A_113 : i32
        %mul3A_115 = arith.constant 32 : i32
        %mul3A_116 = arith.muli %add3A_114, %mul3A_115 : i32
        %dma_start3A_117 = arith.constant 0 : i32
        %dma_start3A_118 = tpu.memref_slice %arg2[%mul3A_116, %dma_start3A_117] : memref<49408x1280xf32, #tpu.memory_space<hbm>> -> memref<32x1280xf32, #tpu.memory_space<hbm>>
        %dma_start3A_119 = arith.constant 0 : i32
        %dma_start3A_120 = tpu.memref_slice %arg2[%mul3A_116, %dma_start3A_119] : memref<49408x1280xf32, #tpu.memory_space<hbm>> -> memref<32x1280xf32, #tpu.memory_space<hbm>>
        tpu.enqueue_dma source(%dma_start3A_120 : memref<32x1280xf32, #tpu.memory_space<hbm>>) target(%arg9 : memref<32x1280xf32, #tpu.memory_space<vmem>>) target_semaphore(%arg11 : memref<!tpu.dma_semaphore, #tpu.memory_space<semaphore_mem>>)
      } else {
      }
    }
    %scan3A_52 = arith.constant 25 : i32
    %dma_wait3A = arith.constant 0 : i32
    %dma_wait3A_53 = arith.constant 0 : i32
    %dma_wait3A_54 = tpu.memref_slice %arg2[%dma_wait3A, %dma_wait3A_53] : memref<49408x1280xf32, #tpu.memory_space<hbm>> -> memref<32x1280xf32, #tpu.memory_space<hbm>>
    %dma_wait3A_55 = arith.constant 0 : i32
    %dma_wait3A_56 = arith.constant 0 : i32
    %dma_wait3A_57 = tpu.memref_slice %arg2[%dma_wait3A_55, %dma_wait3A_56] : memref<49408x1280xf32, #tpu.memory_space<hbm>> -> memref<32x1280xf32, #tpu.memory_space<hbm>>
    tpu.wait_dma2 semaphore(%arg12 : memref<!tpu.dma_semaphore, #tpu.memory_space<semaphore_mem>>) src(%dma_wait3A_57 : memref<32x1280xf32, #tpu.memory_space<hbm>>) dst(%arg8 : memref<32x1280xf32, #tpu.memory_space<vmem>>)
    %dma_wait3A_58 = arith.constant 0 : i32
    %dma_wait3A_59 = arith.constant 0 : i32
    %dma_wait3A_60 = tpu.memref_slice %arg2[%dma_wait3A_58, %dma_wait3A_59] : memref<49408x1280xf32, #tpu.memory_space<hbm>> -> memref<32x1280xf32, #tpu.memory_space<hbm>>
    %dma_wait3A_61 = arith.constant 0 : i32
    %dma_wait3A_62 = arith.constant 0 : i32
    %dma_wait3A_63 = tpu.memref_slice %arg2[%dma_wait3A_61, %dma_wait3A_62] : memref<49408x1280xf32, #tpu.memory_space<hbm>> -> memref<32x1280xf32, #tpu.memory_space<hbm>>
    tpu.wait_dma2 semaphore(%arg13 : memref<!tpu.dma_semaphore, #tpu.memory_space<semaphore_mem>>) src(%dma_wait3A_63 : memref<32x1280xf32, #tpu.memory_space<hbm>>) dst(%arg9 : memref<32x1280xf32, #tpu.memory_space<vmem>>)
    return
  }
}

</mosaic_0001>

<sc_bundles>
// kernel: kernel.3.cloned.1.call-start
scs
__scs_entry_jumppad:
0x0: {  	(pc) =	sbr.rel $0x88, $3  }
0x1: {  	(tag) =	ssettag $0x0;
	lr =	simm.s32 $0x1  }
0x2: {  	[smem:$0x3F9E] =	sst lr;
	_ =	strace $0xD0000000  }
0x3: {  	_ = 	snop  }
0x4: {  	_ = 	snop  }
0x5: {  	_ = 	snop  }
0x6: {  	_ = 	snop  }
0x7: {  	_ = 	snop  }
__scs_overlays_trampoline_lowered:
0x8: {  	[smem:$0x3FAD] =	sst s0  }
0x9: {  	[smem:$0x3FAE] =	sst s1  }
0xa: {  	[smem:$0x3FAF] =	sst s2  }
0xb: {  	[smem:$0x3FB0] =	sst s3  }
0xc: {  	[smem:$0x3FB1] =	sst s4  }
0xd: {  	[smem:$0x3FB2] =	sst s5  }
0xe: {  	[smem:$0x3FB3] =	sst s6  }
0xf: {  	[smem:$0x3FB4] =	sst s7  }
0x10: {  	[smem:$0x3FB5] =	sst s8  }
0x11: {  	[smem:$0x3FB6] =	sst s9;
	s0 =	simm.s32 @!p0 $0x0  }
0x12: {  	s1 =	sld [smem:$0x3F9C];
	s0 =	simm.s32 @p0 $0x1  }
0x13: {  	[smem:$0x3FB7] =	sst s0;
	s0 =	simm.s32 @!p1 $0x0  }
0x14: {  	s2 =	sld [smem:$0x3F9B];
	s0 =	simm.s32 @p1 $0x1  }
0x15: {  	[smem:$0x3FB8] =	sst s0;
	s0 =	simm.s32 @!p2 $0x0  }
0x16: {  	s3 =	sld [smem:$0x3FDB];
	s0 =	simm.s32 @p2 $0x1  }
0x17: {  	s4 =	simm.s32 $0x1BF5;
	[smem:$0x3FBA] =	sst s0  }
0x18: {  	s0 =	sld [smem:$0x3F9D];
	_ =	swait.ge [sflag:s4], $0x0  }
0x19: {  	s7 =	sld [smem:$0x3F9E]  }
0x1a: {  	s8 =	sadd.s32 $0xFFFFE003, lr  }
0x1b: {  	s9 =	sadd.s32 $0xFFFFFEF7, lr;
	s5 =	simm.s32 $0xFFFFFFFF;
	p2 =	slt.u32 s8, $0xFFFFF086  }
0x1c: {  	p1 =	slt.u32 s9, $0xF7A;
	s5 =	simm.s32 @!p2 $0x0  }
0x1d: {  	s5 =	simm.s32 @p1 $0x1;
	p0 =	seq.s32 s7, s2  }
0x1e: {  	s7 =	smul.u32 @!p0 $0xF7A, s2;
	p2 =	seq.s32 @!p0 s5, $0x0  }
0x1f: {  	s9 =	smul.u32 $0xF7A, s1;
	s8 =	simm.s32 @!p0 $0x1BF5;
	p2 =	por !p2, p0  }
0x20: {  	[sflag:s8] =	ssyncset.s32 @!p0 $0xFFFFF086;
	s6 =	sadd.s32 @!p0 s3, s7;
	s7 =	simm.s32 @!p0 $0x108  }
0x21: {  	s3 =	sadd.s32 s3, s9;
	s6 =	sadd.s32 @!p0 $0x88, s6;
	s7 =	simm.s32 @p2 $0x1082  }
0x22: {  	[simem:s7], [sflag:s8] =	dma.local @!p0 [hbm:s6], $0xF7A  }
0x23: {  	s9 =	sor.u32 $0xD0000000, s2;
	s6 =	simm.s32 $0x108;
	_ =	swait.ge @!p0 [sflag:s8], $0x0  }
0x24: {  	s3 =	sadd.s32 $0x88, s3;
	s6 =	simm.s32 @!p1 $0x1082;
	[sflag:s4] =	ssyncset.s32 $0xFFFFF086  }
0x25: {  	[simem:s6], [sflag:s4] =	dma.local [hbm:s3], $0xF7A  }
0x26: {  	[smem:$0x3F9E] =	sst s1;
	(tag) =	ssettag s2;
	_ =	strace s9  }
0x27: {  	s1 =	sld [smem:$0x3FAE]  }
0x28: {  	s2 =	sld [smem:$0x3FAF]  }
0x29: {  	s4 =	sld [smem:$0x3FB1]  }
0x2a: {  	p0 =	seq.s32 s5, $0x0;
	s5 =	sld [smem:$0x3FB2]  }
0x2b: {  	s6 =	sld [smem:$0x3FB3]  }
0x2c: {  	s7 =	sld [smem:$0x3FB4]  }
0x2d: {  	s3 =	simm.s32 $0x108;
	s8 =	sld [smem:$0x3FB5]  }
0x2e: {  	s3 =	simm.s32 @!p0 $0x1082;
	s9 =	sld [smem:$0x3FB6]  }
0x2f: {  	lr =	sadd.s32 s0, s3;
	s0 =	sld [smem:$0x3FAD]  }
0x30: {  	s3 =	sld [smem:$0x3FB0]  }
0x31: {  	[smem:$0x3FB9] =	sst s10  }
0x32: {  	s10 =	sld [smem:$0x3FB7];
	_ =	sdelay $0x3  }
0x33: {  	p0 =	seq.s32 s10, $0x1;
	s10 =	sld [smem:$0x3FB9];
	_ =	sdelay $0x3  }
0x34: {  	[smem:$0x3FB9] =	sst s10  }
0x35: {  	s10 =	sld [smem:$0x3FB8];
	_ =	sdelay $0x3  }
0x36: {  	p1 =	seq.s32 s10, $0x1;
	s10 =	sld [smem:$0x3FB9];
	_ =	sdelay $0x3  }
0x37: {  	[smem:$0x3FB9] =	sst s10  }
0x38: {  	s10 =	sld [smem:$0x3FBA]  }
0x39: {  	_ = 	snop;
	(pc) =	sbr.ind lr, $3  }
0x3a: {  	_ = 	snop  }
0x3b: {  	_ = 	snop  }
0x3c: {  	p2 =	seq.s32 s10, $0x1;
	s10 =	sld [smem:$0x3FB9]  }
0x3d: {  	_ =	shalt  }
0x3e: {  	_ =	shalt  }
0x3f: {  	_ =	shalt  }
0x40: {  	_ =	shalt  }
0x41: {  	_ =	shalt  }
0x42: {  	_ =	shalt  }
0x43: {  	_ =	shalt  }
0x44: {  	_ =	shalt  }
0x45: {  	_ =	shalt  }
0x46: {  	_ =	shalt  }
0x47: {  	_ =	shalt  }
0x48: {  	_ =	shalt  }
0x49: {  	_ =	shalt  }
0x4a: {  	_ =	shalt  }
0x4b: {  	_ =	shalt  }
0x4c: {  	_ =	shalt  }
0x4d: {  	_ =	shalt  }
0x4e: {  	_ =	shalt  }
0x4f: {  	_ =	shalt  }
0x50: {  	_ =	shalt  }
0x51: {  	_ =	shalt  }
0x52: {  	_ =	shalt  }
0x53: {  	_ =	shalt  }
0x54: {  	_ =	shalt  }
0x55: {  	_ =	shalt  }
0x56: {  	_ =	shalt  }
0x57: {  	_ =	shalt  }
0x58: {  	_ =	shalt  }
0x59: {  	_ =	shalt  }
0x5a: {  	_ =	shalt  }
0x5b: {  	_ =	shalt  }
0x5c: {  	_ =	shalt  }
0x5d: {  	_ =	shalt  }
0x5e: {  	_ =	shalt  }
0x5f: {  	_ =	shalt  }
0x60: {  	_ =	shalt  }
0x61: {  	_ =	shalt  }
0x62: {  	_ =	shalt  }
0x63: {  	_ =	shalt  }
0x64: {  	_ =	shalt  }
0x65: {  	_ =	shalt  }
0x66: {  	_ =	shalt  }
0x67: {  	_ =	shalt  }
0x68: {  	_ =	shalt  }
0x69: {  	_ =	shalt  }
0x6a: {  	_ =	shalt  }
0x6b: {  	_ =	shalt  }
0x6c: {  	_ =	shalt  }
0x6d: {  	_ =	shalt  }
0x6e: {  	_ =	shalt  }
0x6f: {  	_ =	shalt  }
0x70: {  	_ =	shalt  }
0x71: {  	_ =	shalt  }
0x72: {  	_ =	shalt  }
0x73: {  	_ =	shalt  }
0x74: {  	_ =	shalt  }
0x75: {  	_ =	shalt  }
0x76: {  	_ =	shalt  }
0x77: {  	_ =	shalt  }
0x78: {  	_ =	shalt  }
0x79: {  	_ =	shalt  }
0x7a: {  	_ =	shalt  }
0x7b: {  	_ =	shalt  }
0x7c: {  	_ =	shalt  }
0x7d: {  	_ =	shalt  }
0x7e: {  	_ =	shalt  }
0x7f: {  	_ =	shalt  }
0x80: {  	_ =	shalt  }
0x81: {  	_ =	shalt  }
0x82: {  	_ =	shalt  }
0x83: {  	_ =	shalt  }
0x84: {  	_ =	shalt  }
0x85: {  	_ =	shalt  }
0x86: {  	_ =	shalt  }
0x87: {  	_ =	shalt  }
.Lfunc_end0:
.L_simem_size_0:
called_computation_lowered:
.L_overlay_start_0:
0x88: {  	s2 =	sld [smem:$0x3FD9]  }
0x89: {  	s3 =	sld [smem:$0x3FFE];
	_ =	sdelay $0x1  }
0x8a: {  	s1 =	srdreg.scid  }
0x8b: {  	s0 =	sand.u32 $0x1, s1  }
0x8c: {  	s18 =	sshll.u32 s0, $0xA;
	s2 =	sadd.s32 s3, s2  }
0x8d: {  	s2 =	sadd.s32 s2, s18  }
0x8e: {  	[smem:$0x3FC5] =	sst s2  }
0x8f: {  	_ = 	snop  }
0x90: {  	s2 =	sld [smem:$0x3FC9]  }
0x91: {  	s19 =	sld [smem:$0x3FC8]  }
0x92: {  	s4 =	sld [smem:$0x3FC7]  }
0x93: {  	s5 =	sld [smem:$0x3FD0];
	(tm) =	ssettm $0x1  }
0x94: {  	s6 =	sld [smem:$0x3FFB];
	_ =	sdelay $0x3  }
0x95: {  	_ =	strace s6  }
0x96: {  	s6 =	sld [smem:$0x3FFC];
	_ =	sdelay $0x3  }
0x97: {  	_ =	strace s6  }
0x98: {  	s6 =	sld [smem:$0x3FFD];
	_ =	sdelay $0x3  }
0x99: {  	_ =	strace s6  }
0x9a: {  	_ =	strace $0x8FFFFFFF  }
0x9b: {  	s20 =	sld [smem:$0x3FDB];
	_ =	sdelay $0x1  }
0x9c: {  	s7 =	simm.s32 $_scs_section_size  }
0x9d: {  	s8 =	simm.s32 $_size__tile_overlayer_lowered;
	s9 =	simm.s32 $_tile_overlayer_lowered  }
0x9e: {  	s23 =	simm.s32 $0x1BFF;
	s22 =	sshll.u32 s9, $0x1;
	s6 =	sadd.s32 s7, s20  }
0x9f: {  	s10 =	simm.s32 $0x0;
	s21 =	sshll.u32 s8, $0x1;
	s8 =	sadd.s32 s22, s6  }
0xa0: {  	[timem:s10], [sflag:s23] =	dma.local [hbm:s8], s21  }
0xa1: {  	_ =	swait.ge [sflag:s23], s21  }
0xa2: {  	s7 =	ssub.s32 $0x0, s21;
	[sflag:s23] =	ssyncset.done $0x0  }
0xa3: {  	[sflag:s23] =	ssyncadd.s32 s7;
	_ =	sdelay $0x1  }
0xa4: {  	s24 =	simm.s32 $0x1B8B  }
0xa5: {  	_ =	swait.ge [sflag:s24], $0x1  }
0xa6: {  	[sflag:s24] =	ssyncset.done $0x0  }
0xa7: {  	s25 =	simm.s32 $0x1B8E;
	[sflag:s24] =	ssyncadd.s32 $0xFFFFFFFF  }
0xa8: {  	s26 =	simm.s32 $execute0_lowered;
	[smem:$0x3FD2] =	sst s25  }
0xa9: {  	s7 =	sshll.u32 s26, $0x1;
	_ =	strace $0x80000046;
	[dreg:$0x1] =	wrdreg $0xFFFFFFFF  }
0xaa: {  	s28 =	simm.s32 $_size_execute0_lowered;
	s6 =	sadd.s32 s6, s7;
	[dreg:$0x0] =	wrdreg $0x0  }
0xab: {  	s7 =	sshll.u32 s28, $0x1;
	[dreg:$0x2] =	wrdreg s6  }
0xac: {  	[dreg:$0x3] =	wrdreg s7  }
0xad: {  	[dreg:$0x4] =	wrdreg $0xC0  }
0xae: {  	_ =	task [dreg:s10], $0x5FFFF  }
0xaf: {  	[dreg:$0x1] =	wrdreg $0xFFFFFFFF  }
0xb0: {  	[dreg:$0x0] =	wrdreg $0x60  }
0xb1: {  	[dreg:$0x2] =	wrdreg s2  }
0xb2: {  	[dreg:$0x3] =	wrdreg s19  }
0xb3: {  	[dreg:$0x4] =	wrdreg s4  }
0xb4: {  	[dreg:$0x5] =	wrdreg s5  }
0xb5: {  	[dreg:$0x6] =	wrdreg $0x9  }
0xb6: {  	_ =	task.clear_ibuf [dreg:s10], $0x7FFFF;
	_ =	strace $0x90000046  }
0xb7: {  	s29 =	simm.s32 $0x9;
	_ =	strace $0x80000048  }
0xb8: {  	_ =	swait.ge [sflag:s29], $0x1  }
0xb9: {  	[sflag:s29] =	ssyncadd.s32 $0xFFFFFFFF  }
0xba: {  	_ =	strace $0x90000048  }
0xbb: {  	_ =	sfence  }
0xbc: {  	s30 =	sld [smem:$0x0];
	_ =	sdelay $0x2  }
0xbd: {  	s31 =	sshll.u32 s1, $0xD;
	s1 =	sshrl.u32 s1, $0x2  }
0xbe: {  	s3 =	sand.u32 $0x4000, s31;
	s1 =	sadd.s32 s1, s30  }
0xbf: {  	s0 =	sor.u32 s3, s0;
	s1 =	sshll.u32 s1, $0x11  }
0xc0: {  	s0 =	sor.u32 s1, s0  }
0xc1: {  	s0 =	sadd.s32 $0x8F2B, s0  }
0xc2: {  	[sflag:s0] =	ssyncadd.remote.s32 $0x1  }
0xc3: {  	_ =	sfence.sel $0xFFFF  }
0xc4: {  	[dreg:$0x0] =	wrdreg $0xFFFFFFFF;
	(pc) =	sbr.abs _section_cstart, $3  }
0xc5: {  	[dreg:$0x1] =	wrdreg $0xFFFFFFFF  }
0xc6: {  	_ =	task.clear_ibuf [dreg:s10], $0x2FFFF;
	_ =	strace $0x9FFFFFFF  }
0xc7: {  	(tm) =	ssettm $0x7FFFFFFF  }
tec
execute0_lowered:
.L_overlay_start_1:
0x0: {  	(tag) =	ssettag $0x1  }
0x1: {  	s3 =	rddreg [dreg:$0x0]  }
0x2: {  	s0 =	srdreg.scid;
	s1 =	stileid.u32  }
0x3: {  	s2 =	simm.s32 $0x0;
	s0 =	sand.u32 $0x1, s0;
	s1 =	sshll.u32 s1, $0x1  }
0x4: {  	[smem:$0x7FF] =	sst s2;
	s22 =	sor.u32 s0, s1  }
0x5: {  	s0 =	ssub.s32 $0x2, s0;
	_ =	strace $0x80000047;
	s1 =	smul.u32 $0x1400, s22  }
0x6: {  	s29 =	sshrl.u32 s0, $0x1;
	s30 =	sor.u32 $0x40, s22;
	[dreg:$0x5] =	wrdreg s22  }
.Ltmp0:
0x7: {  	s31 =	sor.u32 $0x60, s22;
	[dreg:$0x8] =	wrdreg s30;
	(pc) =	sbr.rel .LBB2_1-.Ltmp0, $4  }
0x8: {  	s0 =	ssub.s32 s0, s29;
	[dreg:$0x9] =	wrdreg s31;
	s1 =	sadd.s32 s3, s1  }
0x9: {  	s0 =	smax.u32 s0, $0x1;
	[dreg:$0x6] =	wrdreg s1  }
0xa: {  	s1 =	sadd.s32 $0x28000, s1;
	[dreg:$0xa] =	wrdreg s0  }
0xb: {  	s2 =	simm.s32 $0x0;
	[dreg:$0x7] =	wrdreg s1  }
.LBB2_135:
0xc: {  	s0 =	simm.s32 $0x3  }
0xd: {  	_ =	swait.ge [sflag:s0], $0xA000  }
0xe: {  	[sflag:s0] =	ssyncset.done $0x0  }
0xf: {  	s1 =	simm.s32 $0x4;
	[sflag:s0] =	ssyncadd.s32 $0xFFFF6000  }
0x10: {  	_ =	swait.ge [sflag:s1], $0xA000  }
0x11: {  	s2 =	rddreg [dreg:$0xb]  }
0x12: {  	s31 =	rddreg [dreg:$0xa];
	s2 =	sadd.s32 $0x1, s2  }
0x13: {  	p0 =	sne.s32 s2, s31  }
.Ltmp1:
0x14: {  	_ = 	snop;
	(pc) =	sbr.rel @!p0 .LBB2_136-.Ltmp1, $3  }
0x15: {  	_ =	sdelay $0x1  }
0x16: {  	[sflag:s1] =	ssyncset.done $0x0  }
0x17: {  	[sflag:s1] =	ssyncadd.s32 $0xFFFF6000  }
.LBB2_1:
0x18: {  	[dreg:$0xb] =	wrdreg s2  }
0x19: {  	s0 =	rddreg [dreg:$0x2];
	s1 =	simm.s32 $0x0;
	s13 =	simm.s32 $0x5  }
0x1a: {  	[tilespmem:s1], [sflag:$0x5] =	stream.linear.gather [hbm4b:s0+s1], $0x80, $0x38;
	[tilespmem:$0x19080] =	vst v63  }
0x1b: {  	_ =	swait.ge [sflag:s13], $0x80  }
0x1c: {  	[sflag:s13] =	ssyncset.done $0x0  }
0x1d: {  	[sflag:s13] =	ssyncadd.s32 $0xFFFFFF80  }
0x1e: {  	s3 =	simm.s32 $0x80;
	s14 =	rddreg [dreg:$0x1]  }
0x1f: {  	[tilespmem:s3], [sflag:$0x5] =	stream.linear.gather [hbm4b:s14+s1], $0x5000, $0x38;
	[tilespmem:$0x19080] =	vst v63  }
0x20: {  	_ =	swait.ge [sflag:s13], $0x5000  }
0x21: {  	[sflag:s13] =	ssyncset.done $0x0  }
0x22: {  	[sflag:s13] =	ssyncadd.s32 $0xFFFFB000  }
0x23: {  	v0 =	vld [tilespmem:$0x0];
	_ =	sdelay $0x4  }
0x24: {  	(v2sf) =	vpush v0, $0x0  }
0x25: {  	(v2sf) =	vpush v0, $0x1  }
0x26: {  	(v2sf) =	vpush v0, $0x2  }
0x27: {  	(v2sf) =	vpush v0, $0x3  }
0x28: {  	(v2sf) =	vpush v0, $0x4  }
0x29: {  	(v2sf) =	vpush v0, $0x5  }
0x2a: {  	(v2sf) =	vpush v0, $0x6  }
0x2b: {  	(v2sf) =	vpush v0, $0x7  }
0x2c: {  	(v2sf) =	vpush v0, $0x8  }
0x2d: {  	(v2sf) =	vpush v0, $0x9  }
0x2e: {  	(v2sf) =	vpush v0, $0xA  }
0x2f: {  	s5 =	simm.s32 $0x5080;
	s4 =	rddreg [dreg:$0x6]  }
0x30: {  	[tilespmem:s5], [sflag:$0x1] =	stream.linear.gather [hbm4b:s4+s1], $0xA000, $0x38;
	[tilespmem:$0x19080] =	vst v63  }
0x31: {  	s6 =	simm.s32 $0xF080;
	s15 =	rddreg [dreg:$0x7]  }
0x32: {  	[tilespmem:s6], [sflag:$0x2] =	stream.linear.gather [hbm4b:s15+s1], $0xA000, $0x38;
	[tilespmem:$0x19080] =	vst v63  }
0x33: {  	s7 =	spop (v2sf)  }
0x34: {  	s8 =	spop (v2sf)  }
0x35: {  	s24 =	spop (v2sf)  }
0x36: {  	s25 =	spop (v2sf)  }
0x37: {  	s26 =	spop (v2sf)  }
0x38: {  	s28 =	spop (v2sf)  }
0x39: {  	s29 =	spop (v2sf)  }
0x3a: {  	s30 =	spop (v2sf)  }
0x3b: {  	s31 =	spop (v2sf)  }
0x3c: {  	[dreg:$0xc] =	wrdreg s7;
	s16 =	sshll.u32 s7, $0x7;
	s3 =	spop (v2sf)  }
0x3d: {  	[smem:$0x7F0] =	sst s8;
	s1 =	sand.u32 $0x380, s16;
	s0 =	spop (v2sf)  }
0x3e: {  	s17 =	sshll.u32 s8, $0x7;
	s20 =	sshll.u32 s28, $0x7;
	s23 =	sshll.u32 s0, $0x7  }
0x3f: {  	(v2sf) =	vpush v0, $0xB;
	s16 =	sand.u32 $0x380, s20;
	s20 =	sand.u32 $0x380, s23;
	s23 =	sadd.s32 $0x5080, s1  }
0x40: {  	s6 =	sand.u32 $0x380, s17;
	[dreg:$0xd] =	wrdreg s23  }
0x41: {  	(v2sf) =	vpush v0, $0xC;
	s18 =	sshll.u32 s24, $0x7;
	s1 =	sadd.s32 $0xF080, s1;
	s23 =	sld [smem:$0x7F0]  }
0x42: {  	s19 =	sshll.u32 s25, $0x7;
	[dreg:$0xe] =	wrdreg s1;
	s1 =	sadd.s32 $0x5080, s6  }
0x43: {  	(v2sf) =	vpush v0, $0xD;
	s7 =	sand.u32 $0x380, s18;
	s6 =	sadd.s32 $0xF080, s6;
	[dreg:$0xf] =	wrdreg s1  }
0x44: {  	s8 =	sand.u32 $0x380, s19;
	[dreg:$0x10] =	wrdreg s6;
	s6 =	sadd.s32 $0x5080, s7  }
0x45: {  	s12 =	sshll.u32 s26, $0x7;
	[dreg:$0x11] =	wrdreg s6;
	s6 =	sadd.s32 $0xF080, s7  }
0x46: {  	s13 =	sand.u32 $0x380, s12;
	s7 =	sadd.s32 $0x5080, s8;
	[dreg:$0x12] =	wrdreg s6  }
0x47: {  	s15 =	sshll.u32 s29, $0x7;
	[dreg:$0x13] =	wrdreg s7;
	s6 =	sadd.s32 $0xF080, s8  }
0x48: {  	s15 =	sand.u32 $0x380, s15;
	s7 =	sadd.s32 $0x5080, s13;
	[dreg:$0x14] =	wrdreg s6  }
0x49: {  	s21 =	sshll.u32 s30, $0x7;
	s8 =	sadd.s32 $0xF080, s13;
	[dreg:$0x15] =	wrdreg s7  }
0x4a: {  	s17 =	sand.u32 $0x380, s21;
	s13 =	sadd.s32 $0x5080, s16;
	[dreg:$0x16] =	wrdreg s8  }
0x4b: {  	s22 =	sshll.u32 s31, $0x7;
	s16 =	sadd.s32 $0xF080, s16;
	[dreg:$0x17] =	wrdreg s13  }
0x4c: {  	(v2sf) =	vpush v0, $0xE;
	s18 =	sshll.u32 s3, $0x7;
	[dreg:$0x18] =	wrdreg s16;
	s6 =	sadd.s32 $0x5080, s15  }
0x4d: {  	(v2sf) =	vpush v0, $0xF;
	s19 =	sand.u32 $0x380, s22;
	s7 =	sadd.s32 $0xF080, s15;
	[dreg:$0x19] =	wrdreg s6  }
0x4e: {  	s2 =	spop (v2sf);
	s8 =	sadd.s32 $0x5080, s17;
	[dreg:$0x1a] =	wrdreg s7  }
0x4f: {  	s18 =	sand.u32 $0x380, s18;
	s13 =	sadd.s32 $0xF080, s17;
	[dreg:$0x1b] =	wrdreg s8  }
0x50: {  	s4 =	spop (v2sf);
	s15 =	sadd.s32 $0x5080, s19;
	[dreg:$0x1c] =	wrdreg s13  }
0x51: {  	s5 =	sshll.u32 s2, $0x7;
	s16 =	sadd.s32 $0xF080, s19;
	[dreg:$0x1d] =	wrdreg s15  }
0x52: {  	s14 =	spop (v2sf);
	s17 =	sadd.s32 $0x5080, s18;
	[dreg:$0x1e] =	wrdreg s16  }
0x53: {  	s10 =	sshll.u32 s14, $0x7;
	s19 =	sadd.s32 $0xF080, s18;
	[dreg:$0x1f] =	wrdreg s17  }
0x54: {  	s10 =	sand.u32 $0x380, s10;
	[smem:$0x7F1] =	sst s19;
	s6 =	sadd.s32 $0x5080, s20  }
0x55: {  	s17 =	sadd.s32 $0x5080, s10;
	s18 =	sadd.s32 $0xF080, s10;
	s10 =	rddreg [dreg:$0xc]  }
0x56: {  	s5 =	sand.u32 $0x380, s5;
	s7 =	sadd.s32 $0xF080, s20;
	[smem:$0x7F2] =	sst s6  }
0x57: {  	s21 =	sshll.u32 s4, $0x7;
	s8 =	sadd.s32 $0x5080, s5;
	[smem:$0x7F3] =	sst s7  }
0x58: {  	s21 =	sand.u32 $0x380, s21;
	s13 =	sadd.s32 $0xF080, s5;
	[smem:$0x7F4] =	sst s8  }
0x59: {  	s15 =	sadd.s32 $0x5080, s21;
	[smem:$0x7F5] =	sst s13  }
0x5a: {  	s16 =	sadd.s32 $0xF080, s21;
	[smem:$0x7F6] =	sst s15  }
0x5b: {  	s9 =	spop (v2sf);
	[smem:$0x7F7] =	sst s16  }
0x5c: {  	s12 =	spop (v2sf);
	s11 =	sshll.u32 s9, $0x7;
	[smem:$0x7F8] =	sst s17  }
0x5d: {  	s22 =	sshll.u32 s12, $0x7;
	s11 =	sand.u32 $0x380, s11;
	[smem:$0x7F9] =	sst s18  }
0x5e: {  	s19 =	sadd.s32 $0x5080, s11;
	s20 =	sadd.s32 $0xF080, s11;
	s11 =	rddreg [dreg:$0x0]  }
.Ltmp2:
0x5f: {  	s22 =	sand.u32 $0x380, s22;
	[smem:$0x7FA] =	sst s19;
	(pc) =	sbr.rel .LBB2_2-.Ltmp2, $4  }
0x60: {  	[smem:$0x7FB] =	sst s20;
	s21 =	sadd.s32 $0x5080, s22  }
0x61: {  	s22 =	sadd.s32 $0xF080, s22;
	[smem:$0x7FC] =	sst s21  }
0x62: {  	[smem:$0x7FD] =	sst s22  }
0x63: {  	s22 =	rddreg [dreg:$0x5];
	s21 =	simm.s32 $0x0  }
.LBB2_133:
0x64: {  	s1 =	smul.u32 $0x1400, s16  }
0x65: {  	s5 =	rddreg [dreg:$0x3]  }
0x66: {  	s20 =	simm.s32 $0x0;
	s6 =	simm.s32 $0xF080;
	s1 =	sadd.s32 s5, s1  }
0x67: {  	[hbm4b:s1+s20] =	stream.linear.scatter [tilespmem:s6], [sflag:$0x4], $0xA000, $0x38;
	[tilespmem:$0x19080] =	vst v63  }
.LBB2_134:
0x68: {  	s1 =	rddreg [dreg:$0x9]  }
0x69: {  	s1 =	sadd.s32 s1, s15  }
0x6a: {  	p0 =	sgt.u32 s1, $0x607  }
0x6b: {  	s5 =	simm.s32 @!p0 $0x4  }
0x6c: {  	s1 =	smul.u32 @!p0 $0x1400, s1;
	_ =	swait.ge @!p0 [sflag:s5], $0xA000  }
0x6d: {  	s21 =	sadd.s32 $0x1, s21;
	s6 =	simm.s32 @!p0 $0xF080;
	[sflag:s5] =	ssyncset.done @!p0 $0x0  }
0x6e: {  	s1 =	sadd.s32 @!p0 s11, s1;
	[sflag:s5] =	ssyncadd.s32 @!p0 $0xFFFF6000;
	s5 =	simm.s32 @!p0 $0x0  }
0x6f: {  	[tilespmem:s6], [sflag:$0x2] =	stream.linear.gather @!p0 [hbm4b:s1+s5], $0xA000, $0x38;
	[tilespmem:$0x19080] =	vst v63  }
0x70: {  	p0 =	sne.s32 s21, $0x19  }
.Ltmp3:
0x71: {  	_ = 	snop;
	(pc) =	sbr.rel @!p0 .LBB2_135-.Ltmp3, $1  }
0x72: {  	_ =	sdelay $0x3  }
.LBB2_2:
0x73: {  	s15 =	sshll.u32 s21, $0x6  }
0x74: {  	s16 =	sor.u32 s22, s15  }
0x75: {  	p0 =	sgt.u32 s16, $0x607  }
.Ltmp4:
0x76: {  	_ = 	snop;
	(pc) =	sbr.rel @p0 .LBB2_68-.Ltmp4, $1  }
0x77: {  	_ =	sdelay $0x3  }
0x78: {  	s8 =	sshll.u32 s16, $0x5  }
0x79: {  	p0 =	slt.s32 s10, s8;
	s19 =	sadd.s32 $0x20, s8  }
0x7a: {  	p1 =	sge.s32 @!p0 s10, s19  }
0x7b: {  	p0 =	por p0, p1  }
.Ltmp5:
0x7c: {  	_ = 	snop;
	(pc) =	sbr.rel @p0 .LBB2_7-.Ltmp5, $4  }
0x7d: {  	s1 =	simm.s32 $0x1  }
0x7e: {  	_ =	swait.ge [sflag:s1], $0xA000  }
0x7f: {  	[sflag:s1] =	ssyncset.done $0x0  }
0x80: {  	[sflag:s1] =	ssyncadd.s32 $0xFFFF6000  }
0x81: {  	s1 =	ssub.s32 s10, s8  }
0x82: {  	s1 =	sshrl.u32 s1, $0x3  }
0x83: {  	s1 =	smul.u32 $0xA000, s1;
	_ =	sdelay $0x1  }
0x84: {  	s5 =	simm.s32 $0x0;
	s6 =	rddreg [dreg:$0xd];
	s1 =	sshra.s32 s1, $0x2  }
0x85: {  	s18 =	sand.u32 $0x70, s5;
	s5 =	sand.u32 $0x3C00, s5;
	s13 =	sadd.s32 s1, s6  }
0x86: {  	s6 =	sadd.s32 s5, s13;
	s5 =	sor.u32 s18, s5  }
0x87: {  	s6 =	sadd.s32 s18, s6;
	v0 =	vld [tilespmem:s5+$0x80]  }
0x88: {  	v1 =	vld [tilespmem:s6+$0x0];
	_ =	sdelay $0x4  }
0x89: {  	s20 =	simm.s32 $0x10;
	s7 =	simm.s32 $0x80;
	v0 =	vadd.f32 v0, v1  }
0x8a: {  	s17 =	simm.s32 $0x20;
	s1 =	sand.u32 $0x3C00, s7;
	s18 =	sand.u32 $0x70, s20  }
.LBB2_5:
0x8b: {  	p0 =	sne.s32 s17, $0x4F0;
	s5 =	sadd.s32 s1, s13;
	s1 =	sor.u32 s18, s1;
	[tilespmem:s6+$0x0] =	vst v0  }
0x8c: {  	s6 =	sadd.s32 s18, s5;
	v0 =	vld [tilespmem:s1+$0x80]  }
0x8d: {  	v1 =	vld [tilespmem:s6+$0x0];
	_ =	sdelay $0x1  }
.Ltmp6:
0x8e: {  	(pc) =	sbr.rel @p0 .LBB2_5-.Ltmp6, $3  }
0x8f: {  	_ =	sdelay $0x1  }
0x90: {  	s7 =	sadd.s32 $0x80, s7;
	v0 =	vadd.f32 v0, v1  }
0x91: {  	s18 =	sand.u32 $0x70, s17;
	s1 =	sand.u32 $0x3C00, s7;
	s17 =	sadd.s32 $0x10, s17  }
0x92: {  	s5 =	sadd.s32 s1, s13;
	s20 =	sor.u32 s18, s1;
	[tilespmem:s6+$0x0] =	vst v0  }
0x93: {  	s5 =	sadd.s32 s18, s5;
	v0 =	vld [tilespmem:s20+$0x80]  }
0x94: {  	v1 =	vld [tilespmem:s5+$0x0];
	_ =	sdelay $0x4  }
0x95: {  	v0 =	vadd.f32 v0, v1;
	_ =	sdelay $0x1  }
0x96: {  	[tilespmem:s5+$0x0] =	vst v0  }
.LBB2_7:
0x97: {  	p0 =	slt.s32 s23, s8  }
0x98: {  	p1 =	sge.s32 @!p0 s23, s19  }
0x99: {  	p0 =	por p0, p1  }
.Ltmp7:
0x9a: {  	_ = 	snop;
	(pc) =	sbr.rel @p0 .LBB2_11-.Ltmp7, $1  }
0x9b: {  	_ =	sdelay $0x3  }
0x9c: {  	s1 =	ssub.s32 s23, s8  }
0x9d: {  	s1 =	sshrl.u32 s1, $0x3  }
0x9e: {  	s1 =	smul.u32 $0xA000, s1;
	_ =	sdelay $0x1  }
0x9f: {  	s5 =	simm.s32 $0x0;
	s6 =	rddreg [dreg:$0xf];
	s1 =	sshra.s32 s1, $0x2  }
0xa0: {  	s18 =	sand.u32 $0x70, s5;
	s5 =	sand.u32 $0x3C00, s5;
	s13 =	sadd.s32 s1, s6  }
0xa1: {  	s6 =	sadd.s32 s5, s13;
	s5 =	sor.u32 s18, s5  }
0xa2: {  	s6 =	sadd.s32 s18, s6;
	v0 =	vld [tilespmem:s5+$0x100]  }
0xa3: {  	v1 =	vld [tilespmem:s6+$0x0];
	_ =	sdelay $0x4  }
0xa4: {  	s20 =	simm.s32 $0x10;
	s7 =	simm.s32 $0x80;
	v0 =	vadd.f32 v0, v1  }
0xa5: {  	s17 =	simm.s32 $0x20;
	s1 =	sand.u32 $0x3C00, s7;
	s18 =	sand.u32 $0x70, s20  }
.LBB2_9:
0xa6: {  	p0 =	sne.s32 s17, $0x4F0;
	s5 =	sadd.s32 s1, s13;
	s1 =	sor.u32 s18, s1;
	[tilespmem:s6+$0x0] =	vst v0  }
0xa7: {  	s6 =	sadd.s32 s18, s5;
	v0 =	vld [tilespmem:s1+$0x100]  }
0xa8: {  	v1 =	vld [tilespmem:s6+$0x0];
	_ =	sdelay $0x1  }
.Ltmp8:
0xa9: {  	(pc) =	sbr.rel @p0 .LBB2_9-.Ltmp8, $3  }
0xaa: {  	_ =	sdelay $0x1  }
0xab: {  	s7 =	sadd.s32 $0x80, s7;
	v0 =	vadd.f32 v0, v1  }
0xac: {  	s18 =	sand.u32 $0x70, s17;
	s1 =	sand.u32 $0x3C00, s7;
	s17 =	sadd.s32 $0x10, s17  }
0xad: {  	s5 =	sadd.s32 s1, s13;
	s20 =	sor.u32 s18, s1;
	[tilespmem:s6+$0x0] =	vst v0  }
0xae: {  	s5 =	sadd.s32 s18, s5;
	v0 =	vld [tilespmem:s20+$0x100]  }
0xaf: {  	v1 =	vld [tilespmem:s5+$0x0];
	_ =	sdelay $0x4  }
0xb0: {  	v0 =	vadd.f32 v0, v1;
	_ =	sdelay $0x1  }
0xb1: {  	[tilespmem:s5+$0x0] =	vst v0  }
.LBB2_11:
0xb2: {  	p0 =	slt.s32 s24, s8  }
0xb3: {  	p1 =	sge.s32 @!p0 s24, s19  }
0xb4: {  	p0 =	por p0, p1  }
.Ltmp9:
0xb5: {  	_ = 	snop;
	(pc) =	sbr.rel @p0 .LBB2_15-.Ltmp9, $1  }
0xb6: {  	_ =	sdelay $0x3  }
0xb7: {  	s1 =	ssub.s32 s24, s8  }
0xb8: {  	s1 =	sshrl.u32 s1, $0x3  }
0xb9: {  	s1 =	smul.u32 $0xA000, s1;
	_ =	sdelay $0x1  }
0xba: {  	s5 =	simm.s32 $0x0;
	s6 =	rddreg [dreg:$0x11];
	s1 =	sshra.s32 s1, $0x2  }
0xbb: {  	s18 =	sand.u32 $0x70, s5;
	s5 =	sand.u32 $0x3C00, s5;
	s13 =	sadd.s32 s1, s6  }
0xbc: {  	s6 =	sadd.s32 s5, s13;
	s5 =	sor.u32 s18, s5  }
0xbd: {  	s6 =	sadd.s32 s18, s6;
	v0 =	vld [tilespmem:s5+$0x180]  }
0xbe: {  	v1 =	vld [tilespmem:s6+$0x0];
	_ =	sdelay $0x4  }
0xbf: {  	s20 =	simm.s32 $0x10;
	s7 =	simm.s32 $0x80;
	v0 =	vadd.f32 v0, v1  }
0xc0: {  	s17 =	simm.s32 $0x20;
	s1 =	sand.u32 $0x3C00, s7;
	s18 =	sand.u32 $0x70, s20  }
.LBB2_13:
0xc1: {  	p0 =	sne.s32 s17, $0x4F0;
	s5 =	sadd.s32 s1, s13;
	s1 =	sor.u32 s18, s1;
	[tilespmem:s6+$0x0] =	vst v0  }
0xc2: {  	s6 =	sadd.s32 s18, s5;
	v0 =	vld [tilespmem:s1+$0x180]  }
0xc3: {  	v1 =	vld [tilespmem:s6+$0x0];
	_ =	sdelay $0x1  }
.Ltmp10:
0xc4: {  	(pc) =	sbr.rel @p0 .LBB2_13-.Ltmp10, $3  }
0xc5: {  	_ =	sdelay $0x1  }
0xc6: {  	s7 =	sadd.s32 $0x80, s7;
	v0 =	vadd.f32 v0, v1  }
0xc7: {  	s18 =	sand.u32 $0x70, s17;
	s1 =	sand.u32 $0x3C00, s7;
	s17 =	sadd.s32 $0x10, s17  }
0xc8: {  	s5 =	sadd.s32 s1, s13;
	s20 =	sor.u32 s18, s1;
	[tilespmem:s6+$0x0] =	vst v0  }
0xc9: {  	s5 =	sadd.s32 s18, s5;
	v0 =	vld [tilespmem:s20+$0x180]  }
0xca: {  	v1 =	vld [tilespmem:s5+$0x0];
	_ =	sdelay $0x4  }
0xcb: {  	v0 =	vadd.f32 v0, v1;
	_ =	sdelay $0x1  }
0xcc: {  	[tilespmem:s5+$0x0] =	vst v0  }
.LBB2_15:
0xcd: {  	p0 =	slt.s32 s25, s8  }
0xce: {  	p1 =	sge.s32 @!p0 s25, s19  }
0xcf: {  	p0 =	por p0, p1  }
.Ltmp11:
0xd0: {  	_ = 	snop;
	(pc) =	sbr.rel @p0 .LBB2_19-.Ltmp11, $1  }
0xd1: {  	_ =	sdelay $0x3  }
0xd2: {  	s1 =	ssub.s32 s25, s8  }
0xd3: {  	s1 =	sshrl.u32 s1, $0x3  }
0xd4: {  	s1 =	smul.u32 $0xA000, s1;
	_ =	sdelay $0x1  }
0xd5: {  	s5 =	simm.s32 $0x0;
	s6 =	rddreg [dreg:$0x13];
	s1 =	sshra.s32 s1, $0x2  }
0xd6: {  	s18 =	sand.u32 $0x70, s5;
	s5 =	sand.u32 $0x3C00, s5;
	s13 =	sadd.s32 s1, s6  }
0xd7: {  	s6 =	sadd.s32 s5, s13;
	s5 =	sor.u32 s18, s5  }
0xd8: {  	s6 =	sadd.s32 s18, s6;
	v0 =	vld [tilespmem:s5+$0x200]  }
0xd9: {  	v1 =	vld [tilespmem:s6+$0x0];
	_ =	sdelay $0x4  }
0xda: {  	s20 =	simm.s32 $0x10;
	s7 =	simm.s32 $0x80;
	v0 =	vadd.f32 v0, v1  }
0xdb: {  	s17 =	simm.s32 $0x20;
	s1 =	sand.u32 $0x3C00, s7;
	s18 =	sand.u32 $0x70, s20  }
.LBB2_17:
0xdc: {  	p0 =	sne.s32 s17, $0x4F0;
	s5 =	sadd.s32 s1, s13;
	s1 =	sor.u32 s18, s1;
	[tilespmem:s6+$0x0] =	vst v0  }
0xdd: {  	s6 =	sadd.s32 s18, s5;
	v0 =	vld [tilespmem:s1+$0x200]  }
0xde: {  	v1 =	vld [tilespmem:s6+$0x0];
	_ =	sdelay $0x1  }
.Ltmp12:
0xdf: {  	(pc) =	sbr.rel @p0 .LBB2_17-.Ltmp12, $3  }
0xe0: {  	_ =	sdelay $0x1  }
0xe1: {  	s7 =	sadd.s32 $0x80, s7;
	v0 =	vadd.f32 v0, v1  }
0xe2: {  	s18 =	sand.u32 $0x70, s17;
	s1 =	sand.u32 $0x3C00, s7;
	s17 =	sadd.s32 $0x10, s17  }
0xe3: {  	s5 =	sadd.s32 s1, s13;
	s20 =	sor.u32 s18, s1;
	[tilespmem:s6+$0x0] =	vst v0  }
0xe4: {  	s5 =	sadd.s32 s18, s5;
	v0 =	vld [tilespmem:s20+$0x200]  }
0xe5: {  	v1 =	vld [tilespmem:s5+$0x0];
	_ =	sdelay $0x4  }
0xe6: {  	v0 =	vadd.f32 v0, v1;
	_ =	sdelay $0x1  }
0xe7: {  	[tilespmem:s5+$0x0] =	vst v0  }
.LBB2_19:
0xe8: {  	p0 =	slt.s32 s26, s8  }
0xe9: {  	p1 =	sge.s32 @!p0 s26, s19  }
0xea: {  	p0 =	por p0, p1  }
.Ltmp13:
0xeb: {  	_ = 	snop;
	(pc) =	sbr.rel @p0 .LBB2_23-.Ltmp13, $1  }
0xec: {  	_ =	sdelay $0x3  }
0xed: {  	s1 =	ssub.s32 s26, s8  }
0xee: {  	s1 =	sshrl.u32 s1, $0x3  }
0xef: {  	s1 =	smul.u32 $0xA000, s1;
	_ =	sdelay $0x1  }
0xf0: {  	s5 =	simm.s32 $0x0;
	s6 =	rddreg [dreg:$0x15];
	s1 =	sshra.s32 s1, $0x2  }
0xf1: {  	s18 =	sand.u32 $0x70, s5;
	s5 =	sand.u32 $0x3C00, s5;
	s13 =	sadd.s32 s1, s6  }
0xf2: {  	s6 =	sadd.s32 s5, s13;
	s5 =	sor.u32 s18, s5  }
0xf3: {  	s6 =	sadd.s32 s18, s6;
	v0 =	vld [tilespmem:s5+$0x280]  }
0xf4: {  	v1 =	vld [tilespmem:s6+$0x0];
	_ =	sdelay $0x4  }
0xf5: {  	s20 =	simm.s32 $0x10;
	s7 =	simm.s32 $0x80;
	v0 =	vadd.f32 v0, v1  }
0xf6: {  	s17 =	simm.s32 $0x20;
	s1 =	sand.u32 $0x3C00, s7;
	s18 =	sand.u32 $0x70, s20  }
.LBB2_21:
0xf7: {  	p0 =	sne.s32 s17, $0x4F0;
	s5 =	sadd.s32 s1, s13;
	s1 =	sor.u32 s18, s1;
	[tilespmem:s6+$0x0] =	vst v0  }
0xf8: {  	s6 =	sadd.s32 s18, s5;
	v0 =	vld [tilespmem:s1+$0x280]  }
0xf9: {  	v1 =	vld [tilespmem:s6+$0x0];
	_ =	sdelay $0x1  }
.Ltmp14:
0xfa: {  	(pc) =	sbr.rel @p0 .LBB2_21-.Ltmp14, $3  }
0xfb: {  	_ =	sdelay $0x1  }
0xfc: {  	s7 =	sadd.s32 $0x80, s7;
	v0 =	vadd.f32 v0, v1  }
0xfd: {  	s18 =	sand.u32 $0x70, s17;
	s1 =	sand.u32 $0x3C00, s7;
	s17 =	sadd.s32 $0x10, s17  }
0xfe: {  	s5 =	sadd.s32 s1, s13;
	s20 =	sor.u32 s18, s1;
	[tilespmem:s6+$0x0] =	vst v0  }
0xff: {  	s5 =	sadd.s32 s18, s5;
	v0 =	vld [tilespmem:s20+$0x280]  }
0x100: {  	v1 =	vld [tilespmem:s5+$0x0];
	_ =	sdelay $0x4  }
0x101: {  	v0 =	vadd.f32 v0, v1;
	_ =	sdelay $0x1  }
0x102: {  	[tilespmem:s5+$0x0] =	vst v0  }
.LBB2_23:
0x103: {  	p0 =	slt.s32 s28, s8  }
0x104: {  	p1 =	sge.s32 @!p0 s28, s19  }
0x105: {  	p0 =	por p0, p1  }
.Ltmp15:
0x106: {  	_ = 	snop;
	(pc) =	sbr.rel @p0 .LBB2_27-.Ltmp15, $1  }
0x107: {  	_ =	sdelay $0x3  }
0x108: {  	s1 =	ssub.s32 s28, s8  }
0x109: {  	s1 =	sshrl.u32 s1, $0x3  }
0x10a: {  	s1 =	smul.u32 $0xA000, s1;
	_ =	sdelay $0x1  }
0x10b: {  	s5 =	simm.s32 $0x0;
	s6 =	rddreg [dreg:$0x17];
	s1 =	sshra.s32 s1, $0x2  }
0x10c: {  	s18 =	sand.u32 $0x70, s5;
	s5 =	sand.u32 $0x3C00, s5;
	s13 =	sadd.s32 s1, s6  }
0x10d: {  	s6 =	sadd.s32 s5, s13;
	s5 =	sor.u32 s18, s5  }
0x10e: {  	s6 =	sadd.s32 s18, s6;
	v0 =	vld [tilespmem:s5+$0x300]  }
0x10f: {  	v1 =	vld [tilespmem:s6+$0x0];
	_ =	sdelay $0x4  }
0x110: {  	s20 =	simm.s32 $0x10;
	s7 =	simm.s32 $0x80;
	v0 =	vadd.f32 v0, v1  }
0x111: {  	s17 =	simm.s32 $0x20;
	s1 =	sand.u32 $0x3C00, s7;
	s18 =	sand.u32 $0x70, s20  }
.LBB2_25:
0x112: {  	p0 =	sne.s32 s17, $0x4F0;
	s5 =	sadd.s32 s1, s13;
	s1 =	sor.u32 s18, s1;
	[tilespmem:s6+$0x0] =	vst v0  }
0x113: {  	s6 =	sadd.s32 s18, s5;
	v0 =	vld [tilespmem:s1+$0x300]  }
0x114: {  	v1 =	vld [tilespmem:s6+$0x0];
	_ =	sdelay $0x1  }
.Ltmp16:
0x115: {  	(pc) =	sbr.rel @p0 .LBB2_25-.Ltmp16, $3  }
0x116: {  	_ =	sdelay $0x1  }
0x117: {  	s7 =	sadd.s32 $0x80, s7;
	v0 =	vadd.f32 v0, v1  }
0x118: {  	s18 =	sand.u32 $0x70, s17;
	s1 =	sand.u32 $0x3C00, s7;
	s17 =	sadd.s32 $0x10, s17  }
0x119: {  	s5 =	sadd.s32 s1, s13;
	s20 =	sor.u32 s18, s1;
	[tilespmem:s6+$0x0] =	vst v0  }
0x11a: {  	s5 =	sadd.s32 s18, s5;
	v0 =	vld [tilespmem:s20+$0x300]  }
0x11b: {  	v1 =	vld [tilespmem:s5+$0x0];
	_ =	sdelay $0x4  }
0x11c: {  	v0 =	vadd.f32 v0, v1;
	_ =	sdelay $0x1  }
0x11d: {  	[tilespmem:s5+$0x0] =	vst v0  }
.LBB2_27:
0x11e: {  	p0 =	slt.s32 s29, s8  }
0x11f: {  	p1 =	sge.s32 @!p0 s29, s19  }
0x120: {  	p0 =	por p0, p1  }
.Ltmp17:
0x121: {  	_ = 	snop;
	(pc) =	sbr.rel @p0 .LBB2_31-.Ltmp17, $1  }
0x122: {  	_ =	sdelay $0x3  }
0x123: {  	s1 =	ssub.s32 s29, s8  }
0x124: {  	s1 =	sshrl.u32 s1, $0x3  }
0x125: {  	s1 =	smul.u32 $0xA000, s1;
	_ =	sdelay $0x1  }
0x126: {  	s5 =	simm.s32 $0x0;
	s6 =	rddreg [dreg:$0x19];
	s1 =	sshra.s32 s1, $0x2  }
0x127: {  	s18 =	sand.u32 $0x70, s5;
	s5 =	sand.u32 $0x3C00, s5;
	s13 =	sadd.s32 s1, s6  }
0x128: {  	s6 =	sadd.s32 s5, s13;
	s5 =	sor.u32 s18, s5  }
0x129: {  	s6 =	sadd.s32 s18, s6;
	v0 =	vld [tilespmem:s5+$0x380]  }
0x12a: {  	v1 =	vld [tilespmem:s6+$0x0];
	_ =	sdelay $0x4  }
0x12b: {  	s20 =	simm.s32 $0x10;
	s7 =	simm.s32 $0x80;
	v0 =	vadd.f32 v0, v1  }
0x12c: {  	s17 =	simm.s32 $0x20;
	s1 =	sand.u32 $0x3C00, s7;
	s18 =	sand.u32 $0x70, s20  }
.LBB2_29:
0x12d: {  	p0 =	sne.s32 s17, $0x4F0;
	s5 =	sadd.s32 s1, s13;
	s1 =	sor.u32 s18, s1;
	[tilespmem:s6+$0x0] =	vst v0  }
0x12e: {  	s6 =	sadd.s32 s18, s5;
	v0 =	vld [tilespmem:s1+$0x380]  }
0x12f: {  	v1 =	vld [tilespmem:s6+$0x0];
	_ =	sdelay $0x1  }
.Ltmp18:
0x130: {  	(pc) =	sbr.rel @p0 .LBB2_29-.Ltmp18, $3  }
0x131: {  	_ =	sdelay $0x1  }
0x132: {  	s7 =	sadd.s32 $0x80, s7;
	v0 =	vadd.f32 v0, v1  }
0x133: {  	s18 =	sand.u32 $0x70, s17;
	s1 =	sand.u32 $0x3C00, s7;
	s17 =	sadd.s32 $0x10, s17  }
0x134: {  	s5 =	sadd.s32 s1, s13;
	s20 =	sor.u32 s18, s1;
	[tilespmem:s6+$0x0] =	vst v0  }
0x135: {  	s5 =	sadd.s32 s18, s5;
	v0 =	vld [tilespmem:s20+$0x380]  }
0x136: {  	v1 =	vld [tilespmem:s5+$0x0];
	_ =	sdelay $0x4  }
0x137: {  	v0 =	vadd.f32 v0, v1;
	_ =	sdelay $0x1  }
0x138: {  	[tilespmem:s5+$0x0] =	vst v0  }
.LBB2_31:
0x139: {  	p0 =	slt.s32 s30, s8  }
0x13a: {  	p1 =	sge.s32 @!p0 s30, s19  }
0x13b: {  	p0 =	por p0, p1  }
.Ltmp19:
0x13c: {  	_ = 	snop;
	(pc) =	sbr.rel @p0 .LBB2_35-.Ltmp19, $1  }
0x13d: {  	_ =	sdelay $0x3  }
0x13e: {  	s1 =	ssub.s32 s30, s8  }
0x13f: {  	s1 =	sshrl.u32 s1, $0x3  }
0x140: {  	s5 =	simm.s32 $0x0;
	s1 =	smul.u32 $0xA000, s1  }
0x141: {  	s6 =	sand.u32 $0x7, s5  }
0x142: {  	s7 =	rddreg [dreg:$0x1b];
	s6 =	sshll.u32 s6, $0x4;
	s1 =	sshra.s32 s1, $0x2  }
0x143: {  	s13 =	sand.u32 $0x3C00, s5;
	s10 =	sadd.s32 $0x0, s6;
	s20 =	sadd.s32 s1, s7  }
0x144: {  	s5 =	sand.u32 $0x70, s5;
	s1 =	sor.u32 $0x380, s10;
	s6 =	sadd.s32 s13, s20  }
0x145: {  	v0 =	vld [tilespmem:s1+$0x80];
	s13 =	sadd.s32 s5, s6  }
0x146: {  	v1 =	vld [tilespmem:s13+$0x0];
	_ =	sdelay $0x2  }
0x147: {  	s6 =	simm.s32 $0x1  }
0x148: {  	s18 =	simm.s32 $0x10;
	s17 =	sand.u32 $0x7, s6  }
0x149: {  	s7 =	simm.s32 $0x80;
	s1 =	sshll.u32 s17, $0x4;
	s17 =	simm.s32 $0x20;
	v0 =	vadd.f32 v0, v1  }
.LBB2_33:
0x14a: {  	p0 =	sne.s32 s17, $0x4F0;
	s1 =	sadd.s32 s1, s7;
	s5 =	sand.u32 $0x3C00, s7  }
0x14b: {  	s10 =	sand.u32 $0x70, s18;
	s5 =	sadd.s32 s5, s20;
	s1 =	sor.u32 $0x380, s1;
	[tilespmem:s13+$0x0] =	vst v0  }
0x14c: {  	s18 =	smov.u32 s17;
	s13 =	sadd.s32 s10, s5;
	v0 =	vld [tilespmem:s1+$0x80]  }
0x14d: {  	v1 =	vld [tilespmem:s13+$0x0]  }
.Ltmp20:
0x14e: {  	(pc) =	sbr.rel @p0 .LBB2_33-.Ltmp20, $4  }
0x14f: {  	_ = 	snop  }
0x150: {  	s6 =	sadd.s32 $0x1, s6  }
0x151: {  	s1 =	sand.u32 $0x7, s6  }
0x152: {  	s17 =	sadd.s32 $0x10, s17;
	s7 =	sadd.s32 $0x80, s7;
	s1 =	sshll.u32 s1, $0x4;
	v0 =	vadd.f32 v0, v1  }
0x153: {  	s1 =	sadd.s32 s1, s7;
	s5 =	sand.u32 $0x3C00, s7  }
0x154: {  	s6 =	sand.u32 $0x70, s18;
	s5 =	sadd.s32 s5, s20;
	s1 =	sor.u32 $0x380, s1;
	[tilespmem:s13+$0x0] =	vst v0  }
0x155: {  	s5 =	sadd.s32 s6, s5;
	v0 =	vld [tilespmem:s1+$0x80]  }
0x156: {  	v1 =	vld [tilespmem:s5+$0x0];
	_ =	sdelay $0x4  }
0x157: {  	v0 =	vadd.f32 v0, v1;
	_ =	sdelay $0x1  }
0x158: {  	s10 =	rddreg [dreg:$0xc];
	[tilespmem:s5+$0x0] =	vst v0  }
.LBB2_35:
0x159: {  	p0 =	slt.s32 s31, s8  }
0x15a: {  	p1 =	sge.s32 @!p0 s31, s19  }
0x15b: {  	p0 =	por p0, p1  }
.Ltmp21:
0x15c: {  	_ = 	snop;
	(pc) =	sbr.rel @p0 .LBB2_39-.Ltmp21, $1  }
0x15d: {  	_ =	sdelay $0x3  }
0x15e: {  	s1 =	ssub.s32 s31, s8  }
0x15f: {  	s1 =	sshrl.u32 s1, $0x3  }
0x160: {  	s1 =	smul.u32 $0xA000, s1;
	_ =	sdelay $0x1  }
0x161: {  	s5 =	simm.s32 $0x0;
	s6 =	rddreg [dreg:$0x1d];
	s1 =	sshra.s32 s1, $0x2  }
0x162: {  	s18 =	sand.u32 $0x70, s5;
	s5 =	sand.u32 $0x3C00, s5;
	s13 =	sadd.s32 s1, s6  }
0x163: {  	s6 =	sadd.s32 s5, s13;
	s5 =	sor.u32 s18, s5  }
0x164: {  	s6 =	sadd.s32 s18, s6;
	v0 =	vld [tilespmem:s5+$0x2880]  }
0x165: {  	v1 =	vld [tilespmem:s6+$0x0];
	_ =	sdelay $0x4  }
0x166: {  	s20 =	simm.s32 $0x10;
	s7 =	simm.s32 $0x80;
	v0 =	vadd.f32 v0, v1  }
0x167: {  	s17 =	simm.s32 $0x20;
	s1 =	sand.u32 $0x3C00, s7;
	s18 =	sand.u32 $0x70, s20  }
.LBB2_37:
0x168: {  	p0 =	sne.s32 s17, $0x4F0;
	s5 =	sadd.s32 s1, s13;
	s1 =	sor.u32 s18, s1;
	[tilespmem:s6+$0x0] =	vst v0  }
0x169: {  	s6 =	sadd.s32 s18, s5;
	v0 =	vld [tilespmem:s1+$0x2880]  }
0x16a: {  	v1 =	vld [tilespmem:s6+$0x0];
	_ =	sdelay $0x1  }
.Ltmp22:
0x16b: {  	(pc) =	sbr.rel @p0 .LBB2_37-.Ltmp22, $3  }
0x16c: {  	_ =	sdelay $0x1  }
0x16d: {  	s7 =	sadd.s32 $0x80, s7;
	v0 =	vadd.f32 v0, v1  }
0x16e: {  	s18 =	sand.u32 $0x70, s17;
	s1 =	sand.u32 $0x3C00, s7;
	s17 =	sadd.s32 $0x10, s17  }
0x16f: {  	s5 =	sadd.s32 s1, s13;
	s20 =	sor.u32 s18, s1;
	[tilespmem:s6+$0x0] =	vst v0  }
0x170: {  	s5 =	sadd.s32 s18, s5;
	v0 =	vld [tilespmem:s20+$0x2880]  }
0x171: {  	v1 =	vld [tilespmem:s5+$0x0];
	_ =	sdelay $0x4  }
0x172: {  	v0 =	vadd.f32 v0, v1;
	_ =	sdelay $0x1  }
0x173: {  	[tilespmem:s5+$0x0] =	vst v0  }
.LBB2_39:
0x174: {  	p0 =	slt.s32 s3, s8  }
0x175: {  	p1 =	sge.s32 @!p0 s3, s19  }
0x176: {  	p0 =	por p0, p1  }
.Ltmp23:
0x177: {  	_ = 	snop;
	(pc) =	sbr.rel @p0 .LBB2_43-.Ltmp23, $1  }
0x178: {  	_ =	sdelay $0x3  }
0x179: {  	s1 =	ssub.s32 s3, s8  }
0x17a: {  	s1 =	sshrl.u32 s1, $0x3  }
0x17b: {  	s1 =	smul.u32 $0xA000, s1;
	_ =	sdelay $0x1  }
0x17c: {  	s5 =	simm.s32 $0x0;
	s6 =	rddreg [dreg:$0x1f];
	s1 =	sshra.s32 s1, $0x2  }
0x17d: {  	s18 =	sand.u32 $0x70, s5;
	s5 =	sand.u32 $0x3C00, s5;
	s13 =	sadd.s32 s1, s6  }
0x17e: {  	s6 =	sadd.s32 s5, s13;
	s5 =	sor.u32 s18, s5  }
0x17f: {  	s6 =	sadd.s32 s18, s6;
	v0 =	vld [tilespmem:s5+$0x2900]  }
0x180: {  	v1 =	vld [tilespmem:s6+$0x0];
	_ =	sdelay $0x4  }
0x181: {  	s20 =	simm.s32 $0x10;
	s7 =	simm.s32 $0x80;
	v0 =	vadd.f32 v0, v1  }
0x182: {  	s17 =	simm.s32 $0x20;
	s1 =	sand.u32 $0x3C00, s7;
	s18 =	sand.u32 $0x70, s20  }
.LBB2_41:
0x183: {  	p0 =	sne.s32 s17, $0x4F0;
	s5 =	sadd.s32 s1, s13;
	s1 =	sor.u32 s18, s1;
	[tilespmem:s6+$0x0] =	vst v0  }
0x184: {  	s6 =	sadd.s32 s18, s5;
	v0 =	vld [tilespmem:s1+$0x2900]  }
0x185: {  	v1 =	vld [tilespmem:s6+$0x0];
	_ =	sdelay $0x1  }
.Ltmp24:
0x186: {  	(pc) =	sbr.rel @p0 .LBB2_41-.Ltmp24, $3  }
0x187: {  	_ =	sdelay $0x1  }
0x188: {  	s7 =	sadd.s32 $0x80, s7;
	v0 =	vadd.f32 v0, v1  }
0x189: {  	s18 =	sand.u32 $0x70, s17;
	s1 =	sand.u32 $0x3C00, s7;
	s17 =	sadd.s32 $0x10, s17  }
0x18a: {  	s5 =	sadd.s32 s1, s13;
	s20 =	sor.u32 s18, s1;
	[tilespmem:s6+$0x0] =	vst v0  }
0x18b: {  	s5 =	sadd.s32 s18, s5;
	v0 =	vld [tilespmem:s20+$0x2900]  }
0x18c: {  	v1 =	vld [tilespmem:s5+$0x0];
	_ =	sdelay $0x4  }
0x18d: {  	v0 =	vadd.f32 v0, v1;
	_ =	sdelay $0x1  }
0x18e: {  	[tilespmem:s5+$0x0] =	vst v0  }
.LBB2_43:
0x18f: {  	p0 =	slt.s32 s0, s8  }
0x190: {  	p1 =	sge.s32 @!p0 s0, s19  }
0x191: {  	p0 =	por p0, p1  }
.Ltmp25:
0x192: {  	_ = 	snop;
	(pc) =	sbr.rel @p0 .LBB2_47-.Ltmp25, $1  }
0x193: {  	_ =	sdelay $0x3  }
0x194: {  	s1 =	ssub.s32 s0, s8  }
0x195: {  	s1 =	sshrl.u32 s1, $0x3  }
0x196: {  	s6 =	sld [smem:$0x7F2];
	s1 =	smul.u32 $0xA000, s1  }
0x197: {  	_ = 	snop  }
0x198: {  	s5 =	simm.s32 $0x0;
	s1 =	sshra.s32 s1, $0x2  }
0x199: {  	s18 =	sand.u32 $0x70, s5;
	s5 =	sand.u32 $0x3C00, s5;
	s13 =	sadd.s32 s1, s6  }
0x19a: {  	s6 =	sadd.s32 s5, s13;
	s5 =	sor.u32 s18, s5  }
0x19b: {  	s6 =	sadd.s32 s18, s6;
	v0 =	vld [tilespmem:s5+$0x2980]  }
0x19c: {  	v1 =	vld [tilespmem:s6+$0x0];
	_ =	sdelay $0x4  }
0x19d: {  	s20 =	simm.s32 $0x10;
	s7 =	simm.s32 $0x80;
	v0 =	vadd.f32 v0, v1  }
0x19e: {  	s17 =	simm.s32 $0x20;
	s1 =	sand.u32 $0x3C00, s7;
	s18 =	sand.u32 $0x70, s20  }
.LBB2_45:
0x19f: {  	p0 =	sne.s32 s17, $0x4F0;
	s5 =	sadd.s32 s1, s13;
	s1 =	sor.u32 s18, s1;
	[tilespmem:s6+$0x0] =	vst v0  }
0x1a0: {  	s6 =	sadd.s32 s18, s5;
	v0 =	vld [tilespmem:s1+$0x2980]  }
0x1a1: {  	v1 =	vld [tilespmem:s6+$0x0];
	_ =	sdelay $0x1  }
.Ltmp26:
0x1a2: {  	(pc) =	sbr.rel @p0 .LBB2_45-.Ltmp26, $3  }
0x1a3: {  	_ =	sdelay $0x1  }
0x1a4: {  	s7 =	sadd.s32 $0x80, s7;
	v0 =	vadd.f32 v0, v1  }
0x1a5: {  	s18 =	sand.u32 $0x70, s17;
	s1 =	sand.u32 $0x3C00, s7;
	s17 =	sadd.s32 $0x10, s17  }
0x1a6: {  	s5 =	sadd.s32 s1, s13;
	s20 =	sor.u32 s18, s1;
	[tilespmem:s6+$0x0] =	vst v0  }
0x1a7: {  	s5 =	sadd.s32 s18, s5;
	v0 =	vld [tilespmem:s20+$0x2980]  }
0x1a8: {  	v1 =	vld [tilespmem:s5+$0x0];
	_ =	sdelay $0x4  }
0x1a9: {  	v0 =	vadd.f32 v0, v1;
	_ =	sdelay $0x1  }
0x1aa: {  	[tilespmem:s5+$0x0] =	vst v0  }
.LBB2_47:
0x1ab: {  	p0 =	slt.s32 s2, s8  }
0x1ac: {  	p1 =	sge.s32 @!p0 s2, s19  }
0x1ad: {  	p0 =	por p0, p1  }
.Ltmp27:
0x1ae: {  	_ = 	snop;
	(pc) =	sbr.rel @p0 .LBB2_51-.Ltmp27, $1  }
0x1af: {  	_ =	sdelay $0x3  }
0x1b0: {  	s1 =	ssub.s32 s2, s8  }
0x1b1: {  	s1 =	sshrl.u32 s1, $0x3  }
0x1b2: {  	s6 =	sld [smem:$0x7F4];
	s1 =	smul.u32 $0xA000, s1  }
0x1b3: {  	_ = 	snop  }
0x1b4: {  	s5 =	simm.s32 $0x0;
	s1 =	sshra.s32 s1, $0x2  }
0x1b5: {  	s18 =	sand.u32 $0x70, s5;
	s5 =	sand.u32 $0x3C00, s5;
	s13 =	sadd.s32 s1, s6  }
0x1b6: {  	s6 =	sadd.s32 s5, s13;
	s5 =	sor.u32 s18, s5  }
0x1b7: {  	s6 =	sadd.s32 s18, s6;
	v0 =	vld [tilespmem:s5+$0x2A00]  }
0x1b8: {  	v1 =	vld [tilespmem:s6+$0x0];
	_ =	sdelay $0x4  }
0x1b9: {  	s20 =	simm.s32 $0x10;
	s7 =	simm.s32 $0x80;
	v0 =	vadd.f32 v0, v1  }
0x1ba: {  	s17 =	simm.s32 $0x20;
	s1 =	sand.u32 $0x3C00, s7;
	s18 =	sand.u32 $0x70, s20  }
.LBB2_49:
0x1bb: {  	p0 =	sne.s32 s17, $0x4F0;
	s5 =	sadd.s32 s1, s13;
	s1 =	sor.u32 s18, s1;
	[tilespmem:s6+$0x0] =	vst v0  }
0x1bc: {  	s6 =	sadd.s32 s18, s5;
	v0 =	vld [tilespmem:s1+$0x2A00]  }
0x1bd: {  	v1 =	vld [tilespmem:s6+$0x0];
	_ =	sdelay $0x1  }
.Ltmp28:
0x1be: {  	(pc) =	sbr.rel @p0 .LBB2_49-.Ltmp28, $3  }
0x1bf: {  	_ =	sdelay $0x1  }
0x1c0: {  	s7 =	sadd.s32 $0x80, s7;
	v0 =	vadd.f32 v0, v1  }
0x1c1: {  	s18 =	sand.u32 $0x70, s17;
	s1 =	sand.u32 $0x3C00, s7;
	s17 =	sadd.s32 $0x10, s17  }
0x1c2: {  	s5 =	sadd.s32 s1, s13;
	s20 =	sor.u32 s18, s1;
	[tilespmem:s6+$0x0] =	vst v0  }
0x1c3: {  	s5 =	sadd.s32 s18, s5;
	v0 =	vld [tilespmem:s20+$0x2A00]  }
0x1c4: {  	v1 =	vld [tilespmem:s5+$0x0];
	_ =	sdelay $0x4  }
0x1c5: {  	v0 =	vadd.f32 v0, v1;
	_ =	sdelay $0x1  }
0x1c6: {  	[tilespmem:s5+$0x0] =	vst v0  }
.LBB2_51:
0x1c7: {  	p0 =	slt.s32 s4, s8  }
0x1c8: {  	p1 =	sge.s32 @!p0 s4, s19  }
0x1c9: {  	p0 =	por p0, p1  }
.Ltmp29:
0x1ca: {  	_ = 	snop;
	(pc) =	sbr.rel @p0 .LBB2_55-.Ltmp29, $1  }
0x1cb: {  	_ =	sdelay $0x3  }
0x1cc: {  	s1 =	ssub.s32 s4, s8  }
0x1cd: {  	s1 =	sshrl.u32 s1, $0x3  }
0x1ce: {  	s6 =	sld [smem:$0x7F6];
	s1 =	smul.u32 $0xA000, s1  }
0x1cf: {  	_ = 	snop  }
0x1d0: {  	s5 =	simm.s32 $0x0;
	s1 =	sshra.s32 s1, $0x2  }
0x1d1: {  	s18 =	sand.u32 $0x70, s5;
	s5 =	sand.u32 $0x3C00, s5;
	s13 =	sadd.s32 s1, s6  }
0x1d2: {  	s6 =	sadd.s32 s5, s13;
	s5 =	sor.u32 s18, s5  }
0x1d3: {  	s6 =	sadd.s32 s18, s6;
	v0 =	vld [tilespmem:s5+$0x2A80]  }
0x1d4: {  	v1 =	vld [tilespmem:s6+$0x0];
	_ =	sdelay $0x4  }
0x1d5: {  	s20 =	simm.s32 $0x10;
	s7 =	simm.s32 $0x80;
	v0 =	vadd.f32 v0, v1  }
0x1d6: {  	s17 =	simm.s32 $0x20;
	s1 =	sand.u32 $0x3C00, s7;
	s18 =	sand.u32 $0x70, s20  }
.LBB2_53:
0x1d7: {  	p0 =	sne.s32 s17, $0x4F0;
	s5 =	sadd.s32 s1, s13;
	s1 =	sor.u32 s18, s1;
	[tilespmem:s6+$0x0] =	vst v0  }
0x1d8: {  	s6 =	sadd.s32 s18, s5;
	v0 =	vld [tilespmem:s1+$0x2A80]  }
0x1d9: {  	v1 =	vld [tilespmem:s6+$0x0];
	_ =	sdelay $0x1  }
.Ltmp30:
0x1da: {  	(pc) =	sbr.rel @p0 .LBB2_53-.Ltmp30, $3  }
0x1db: {  	_ =	sdelay $0x1  }
0x1dc: {  	s7 =	sadd.s32 $0x80, s7;
	v0 =	vadd.f32 v0, v1  }
0x1dd: {  	s18 =	sand.u32 $0x70, s17;
	s1 =	sand.u32 $0x3C00, s7;
	s17 =	sadd.s32 $0x10, s17  }
0x1de: {  	s5 =	sadd.s32 s1, s13;
	s20 =	sor.u32 s18, s1;
	[tilespmem:s6+$0x0] =	vst v0  }
0x1df: {  	s5 =	sadd.s32 s18, s5;
	v0 =	vld [tilespmem:s20+$0x2A80]  }
0x1e0: {  	v1 =	vld [tilespmem:s5+$0x0];
	_ =	sdelay $0x4  }
0x1e1: {  	v0 =	vadd.f32 v0, v1;
	_ =	sdelay $0x1  }
0x1e2: {  	[tilespmem:s5+$0x0] =	vst v0  }
.LBB2_55:
0x1e3: {  	p0 =	slt.s32 s14, s8  }
0x1e4: {  	p1 =	sge.s32 @!p0 s14, s19  }
0x1e5: {  	p0 =	por p0, p1  }
.Ltmp31:
0x1e6: {  	_ = 	snop;
	(pc) =	sbr.rel @p0 .LBB2_59-.Ltmp31, $1  }
0x1e7: {  	_ =	sdelay $0x3  }
0x1e8: {  	s1 =	ssub.s32 s14, s8  }
0x1e9: {  	s1 =	sshrl.u32 s1, $0x3  }
0x1ea: {  	s6 =	sld [smem:$0x7F8];
	s1 =	smul.u32 $0xA000, s1  }
0x1eb: {  	_ = 	snop  }
0x1ec: {  	s5 =	simm.s32 $0x0;
	s1 =	sshra.s32 s1, $0x2  }
0x1ed: {  	s18 =	sand.u32 $0x70, s5;
	s5 =	sand.u32 $0x3C00, s5;
	s13 =	sadd.s32 s1, s6  }
0x1ee: {  	s6 =	sadd.s32 s5, s13;
	s5 =	sor.u32 s18, s5  }
0x1ef: {  	s6 =	sadd.s32 s18, s6;
	v0 =	vld [tilespmem:s5+$0x2B00]  }
0x1f0: {  	v1 =	vld [tilespmem:s6+$0x0];
	_ =	sdelay $0x4  }
0x1f1: {  	s20 =	simm.s32 $0x10;
	s7 =	simm.s32 $0x80;
	v0 =	vadd.f32 v0, v1  }
0x1f2: {  	s17 =	simm.s32 $0x20;
	s1 =	sand.u32 $0x3C00, s7;
	s18 =	sand.u32 $0x70, s20  }
.LBB2_57:
0x1f3: {  	p0 =	sne.s32 s17, $0x4F0;
	s5 =	sadd.s32 s1, s13;
	s1 =	sor.u32 s18, s1;
	[tilespmem:s6+$0x0] =	vst v0  }
0x1f4: {  	s6 =	sadd.s32 s18, s5;
	v0 =	vld [tilespmem:s1+$0x2B00]  }
0x1f5: {  	v1 =	vld [tilespmem:s6+$0x0];
	_ =	sdelay $0x1  }
.Ltmp32:
0x1f6: {  	(pc) =	sbr.rel @p0 .LBB2_57-.Ltmp32, $3  }
0x1f7: {  	_ =	sdelay $0x1  }
0x1f8: {  	s7 =	sadd.s32 $0x80, s7;
	v0 =	vadd.f32 v0, v1  }
0x1f9: {  	s18 =	sand.u32 $0x70, s17;
	s1 =	sand.u32 $0x3C00, s7;
	s17 =	sadd.s32 $0x10, s17  }
0x1fa: {  	s5 =	sadd.s32 s1, s13;
	s20 =	sor.u32 s18, s1;
	[tilespmem:s6+$0x0] =	vst v0  }
0x1fb: {  	s5 =	sadd.s32 s18, s5;
	v0 =	vld [tilespmem:s20+$0x2B00]  }
0x1fc: {  	v1 =	vld [tilespmem:s5+$0x0];
	_ =	sdelay $0x4  }
0x1fd: {  	v0 =	vadd.f32 v0, v1;
	_ =	sdelay $0x1  }
0x1fe: {  	[tilespmem:s5+$0x0] =	vst v0  }
.LBB2_59:
0x1ff: {  	p0 =	slt.s32 s9, s8  }
0x200: {  	p1 =	sge.s32 @!p0 s9, s19  }
0x201: {  	p0 =	por p0, p1  }
.Ltmp33:
0x202: {  	_ = 	snop;
	(pc) =	sbr.rel @p0 .LBB2_63-.Ltmp33, $1  }
0x203: {  	_ =	sdelay $0x3  }
0x204: {  	s1 =	ssub.s32 s9, s8  }
0x205: {  	s1 =	sshrl.u32 s1, $0x3  }
0x206: {  	s6 =	sld [smem:$0x7FA];
	s1 =	smul.u32 $0xA000, s1  }
0x207: {  	_ = 	snop  }
0x208: {  	s5 =	simm.s32 $0x0;
	s1 =	sshra.s32 s1, $0x2  }
0x209: {  	s18 =	sand.u32 $0x70, s5;
	s5 =	sand.u32 $0x3C00, s5;
	s13 =	sadd.s32 s1, s6  }
0x20a: {  	s6 =	sadd.s32 s5, s13;
	s5 =	sor.u32 s18, s5  }
0x20b: {  	s6 =	sadd.s32 s18, s6;
	v0 =	vld [tilespmem:s5+$0x2B80]  }
0x20c: {  	v1 =	vld [tilespmem:s6+$0x0];
	_ =	sdelay $0x4  }
0x20d: {  	s20 =	simm.s32 $0x10;
	s7 =	simm.s32 $0x80;
	v0 =	vadd.f32 v0, v1  }
0x20e: {  	s17 =	simm.s32 $0x20;
	s1 =	sand.u32 $0x3C00, s7;
	s18 =	sand.u32 $0x70, s20  }
.LBB2_61:
0x20f: {  	p0 =	sne.s32 s17, $0x4F0;
	s5 =	sadd.s32 s1, s13;
	s1 =	sor.u32 s18, s1;
	[tilespmem:s6+$0x0] =	vst v0  }
0x210: {  	s6 =	sadd.s32 s18, s5;
	v0 =	vld [tilespmem:s1+$0x2B80]  }
0x211: {  	v1 =	vld [tilespmem:s6+$0x0];
	_ =	sdelay $0x1  }
.Ltmp34:
0x212: {  	(pc) =	sbr.rel @p0 .LBB2_61-.Ltmp34, $3  }
0x213: {  	_ =	sdelay $0x1  }
0x214: {  	s7 =	sadd.s32 $0x80, s7;
	v0 =	vadd.f32 v0, v1  }
0x215: {  	s18 =	sand.u32 $0x70, s17;
	s1 =	sand.u32 $0x3C00, s7;
	s17 =	sadd.s32 $0x10, s17  }
0x216: {  	s5 =	sadd.s32 s1, s13;
	s20 =	sor.u32 s18, s1;
	[tilespmem:s6+$0x0] =	vst v0  }
0x217: {  	s5 =	sadd.s32 s18, s5;
	v0 =	vld [tilespmem:s20+$0x2B80]  }
0x218: {  	v1 =	vld [tilespmem:s5+$0x0];
	_ =	sdelay $0x4  }
0x219: {  	v0 =	vadd.f32 v0, v1;
	_ =	sdelay $0x1  }
0x21a: {  	[tilespmem:s5+$0x0] =	vst v0  }
.LBB2_63:
0x21b: {  	p0 =	slt.s32 s12, s8  }
0x21c: {  	p1 =	sge.s32 @!p0 s12, s19  }
0x21d: {  	p0 =	por p0, p1  }
.Ltmp35:
0x21e: {  	_ = 	snop;
	(pc) =	sbr.rel @p0 .LBB2_67-.Ltmp35, $1  }
0x21f: {  	_ =	sdelay $0x3  }
0x220: {  	s1 =	ssub.s32 s12, s8  }
0x221: {  	s1 =	sshrl.u32 s1, $0x3  }
0x222: {  	s6 =	sld [smem:$0x7FC];
	s1 =	smul.u32 $0xA000, s1  }
0x223: {  	_ = 	snop  }
0x224: {  	s5 =	simm.s32 $0x0;
	s1 =	sshra.s32 s1, $0x2  }
0x225: {  	s19 =	sand.u32 $0x70, s5;
	s5 =	sand.u32 $0x3C00, s5;
	s8 =	sadd.s32 s1, s6  }
0x226: {  	s6 =	sadd.s32 s5, s8;
	s5 =	sor.u32 s19, s5  }
0x227: {  	s6 =	sadd.s32 s19, s6;
	v0 =	vld [tilespmem:s5+$0x2C00]  }
0x228: {  	v1 =	vld [tilespmem:s6+$0x0];
	_ =	sdelay $0x4  }
0x229: {  	s20 =	simm.s32 $0x10;
	s7 =	simm.s32 $0x80;
	v0 =	vadd.f32 v0, v1  }
0x22a: {  	s13 =	simm.s32 $0x20;
	s17 =	sand.u32 $0x70, s20;
	s1 =	sand.u32 $0x3C00, s7  }
.LBB2_65:
0x22b: {  	p0 =	sne.s32 s13, $0x4F0;
	s5 =	sadd.s32 s1, s8;
	s1 =	sor.u32 s17, s1;
	[tilespmem:s6+$0x0] =	vst v0  }
0x22c: {  	s6 =	sadd.s32 s17, s5;
	v0 =	vld [tilespmem:s1+$0x2C00]  }
0x22d: {  	v1 =	vld [tilespmem:s6+$0x0];
	_ =	sdelay $0x1  }
.Ltmp36:
0x22e: {  	(pc) =	sbr.rel @p0 .LBB2_65-.Ltmp36, $3  }
0x22f: {  	_ =	sdelay $0x1  }
0x230: {  	s7 =	sadd.s32 $0x80, s7;
	v0 =	vadd.f32 v0, v1  }
0x231: {  	s17 =	sand.u32 $0x70, s13;
	s1 =	sand.u32 $0x3C00, s7;
	s13 =	sadd.s32 $0x10, s13  }
0x232: {  	s5 =	sadd.s32 s1, s8;
	s20 =	sor.u32 s17, s1;
	[tilespmem:s6+$0x0] =	vst v0  }
0x233: {  	s5 =	sadd.s32 s17, s5;
	v0 =	vld [tilespmem:s20+$0x2C00]  }
0x234: {  	v1 =	vld [tilespmem:s5+$0x0];
	_ =	sdelay $0x4  }
0x235: {  	v0 =	vadd.f32 v0, v1;
	_ =	sdelay $0x1  }
0x236: {  	[tilespmem:s5+$0x0] =	vst v0  }
.LBB2_67:
0x237: {  	s1 =	smul.u32 $0x1400, s16  }
0x238: {  	s5 =	rddreg [dreg:$0x3]  }
0x239: {  	s20 =	simm.s32 $0x0;
	s6 =	simm.s32 $0x5080;
	s1 =	sadd.s32 s5, s1  }
0x23a: {  	[hbm4b:s1+s20] =	stream.linear.scatter [tilespmem:s6], [sflag:$0x3], $0xA000, $0x38;
	[tilespmem:$0x19080] =	vst v63  }
.LBB2_68:
0x23b: {  	s1 =	rddreg [dreg:$0x8]  }
0x23c: {  	s1 =	sadd.s32 s1, s15  }
0x23d: {  	p0 =	sgt.u32 s1, $0x607  }
0x23e: {  	s5 =	simm.s32 @!p0 $0x3  }
0x23f: {  	s1 =	smul.u32 @!p0 $0x1400, s1;
	_ =	swait.ge @!p0 [sflag:s5], $0xA000  }
0x240: {  	s16 =	sor.u32 $0x20, s16;
	s6 =	simm.s32 @!p0 $0x5080;
	[sflag:s5] =	ssyncset.done @!p0 $0x0  }
0x241: {  	s1 =	sadd.s32 @!p0 s11, s1;
	[sflag:s5] =	ssyncadd.s32 @!p0 $0xFFFF6000;
	s5 =	simm.s32 @!p0 $0x0  }
0x242: {  	[tilespmem:s6], [sflag:$0x1] =	stream.linear.gather @!p0 [hbm4b:s1+s5], $0xA000, $0x38;
	[tilespmem:$0x19080] =	vst v63  }
0x243: {  	p0 =	sgt.u32 s16, $0x607  }
.Ltmp37:
0x244: {  	_ = 	snop;
	(pc) =	sbr.rel @p0 .LBB2_134-.Ltmp37, $1  }
0x245: {  	_ =	sdelay $0x3  }
0x246: {  	s8 =	sshll.u32 s16, $0x5  }
0x247: {  	p0 =	slt.s32 s10, s8;
	s19 =	sadd.s32 $0x20, s8  }
0x248: {  	p1 =	sge.s32 @!p0 s10, s19  }
0x249: {  	p0 =	por p0, p1  }
.Ltmp38:
0x24a: {  	_ = 	snop;
	(pc) =	sbr.rel @p0 .LBB2_73-.Ltmp38, $4  }
0x24b: {  	s1 =	simm.s32 $0x2  }
0x24c: {  	_ =	swait.ge [sflag:s1], $0xA000  }
0x24d: {  	[sflag:s1] =	ssyncset.done $0x0  }
0x24e: {  	[sflag:s1] =	ssyncadd.s32 $0xFFFF6000  }
0x24f: {  	s1 =	ssub.s32 s10, s8  }
0x250: {  	s1 =	sshrl.u32 s1, $0x3  }
0x251: {  	s1 =	smul.u32 $0xA000, s1;
	_ =	sdelay $0x1  }
0x252: {  	s5 =	simm.s32 $0x0;
	s6 =	rddreg [dreg:$0xe];
	s1 =	sshra.s32 s1, $0x2  }
0x253: {  	s18 =	sand.u32 $0x70, s5;
	s5 =	sand.u32 $0x3C00, s5;
	s13 =	sadd.s32 s1, s6  }
0x254: {  	s6 =	sadd.s32 s5, s13;
	s5 =	sor.u32 s18, s5  }
0x255: {  	s6 =	sadd.s32 s18, s6;
	v0 =	vld [tilespmem:s5+$0x80]  }
0x256: {  	v1 =	vld [tilespmem:s6+$0x0];
	_ =	sdelay $0x4  }
0x257: {  	s20 =	simm.s32 $0x10;
	s7 =	simm.s32 $0x80;
	v0 =	vadd.f32 v0, v1  }
0x258: {  	s17 =	simm.s32 $0x20;
	s1 =	sand.u32 $0x3C00, s7;
	s18 =	sand.u32 $0x70, s20  }
.LBB2_71:
0x259: {  	p0 =	sne.s32 s17, $0x4F0;
	s5 =	sadd.s32 s1, s13;
	s1 =	sor.u32 s18, s1;
	[tilespmem:s6+$0x0] =	vst v0  }
0x25a: {  	s6 =	sadd.s32 s18, s5;
	v0 =	vld [tilespmem:s1+$0x80]  }
0x25b: {  	v1 =	vld [tilespmem:s6+$0x0];
	_ =	sdelay $0x1  }
.Ltmp39:
0x25c: {  	(pc) =	sbr.rel @p0 .LBB2_71-.Ltmp39, $3  }
0x25d: {  	_ =	sdelay $0x1  }
0x25e: {  	s7 =	sadd.s32 $0x80, s7;
	v0 =	vadd.f32 v0, v1  }
0x25f: {  	s18 =	sand.u32 $0x70, s17;
	s1 =	sand.u32 $0x3C00, s7;
	s17 =	sadd.s32 $0x10, s17  }
0x260: {  	s5 =	sadd.s32 s1, s13;
	s20 =	sor.u32 s18, s1;
	[tilespmem:s6+$0x0] =	vst v0  }
0x261: {  	s5 =	sadd.s32 s18, s5;
	v0 =	vld [tilespmem:s20+$0x80]  }
0x262: {  	v1 =	vld [tilespmem:s5+$0x0];
	_ =	sdelay $0x4  }
0x263: {  	v0 =	vadd.f32 v0, v1;
	_ =	sdelay $0x1  }
0x264: {  	[tilespmem:s5+$0x0] =	vst v0  }
.LBB2_73:
0x265: {  	p0 =	slt.s32 s23, s8  }
0x266: {  	p1 =	sge.s32 @!p0 s23, s19  }
0x267: {  	p0 =	por p0, p1  }
.Ltmp40:
0x268: {  	_ = 	snop;
	(pc) =	sbr.rel @p0 .LBB2_77-.Ltmp40, $1  }
0x269: {  	_ =	sdelay $0x3  }
0x26a: {  	s1 =	ssub.s32 s23, s8  }
0x26b: {  	s1 =	sshrl.u32 s1, $0x3  }
0x26c: {  	s1 =	smul.u32 $0xA000, s1;
	_ =	sdelay $0x1  }
0x26d: {  	s5 =	simm.s32 $0x0;
	s6 =	rddreg [dreg:$0x10];
	s1 =	sshra.s32 s1, $0x2  }
0x26e: {  	s18 =	sand.u32 $0x70, s5;
	s5 =	sand.u32 $0x3C00, s5;
	s13 =	sadd.s32 s1, s6  }
0x26f: {  	s6 =	sadd.s32 s5, s13;
	s5 =	sor.u32 s18, s5  }
0x270: {  	s6 =	sadd.s32 s18, s6;
	v0 =	vld [tilespmem:s5+$0x100]  }
0x271: {  	v1 =	vld [tilespmem:s6+$0x0];
	_ =	sdelay $0x4  }
0x272: {  	s20 =	simm.s32 $0x10;
	s7 =	simm.s32 $0x80;
	v0 =	vadd.f32 v0, v1  }
0x273: {  	s17 =	simm.s32 $0x20;
	s1 =	sand.u32 $0x3C00, s7;
	s18 =	sand.u32 $0x70, s20  }
.LBB2_75:
0x274: {  	p0 =	sne.s32 s17, $0x4F0;
	s5 =	sadd.s32 s1, s13;
	s1 =	sor.u32 s18, s1;
	[tilespmem:s6+$0x0] =	vst v0  }
0x275: {  	s6 =	sadd.s32 s18, s5;
	v0 =	vld [tilespmem:s1+$0x100]  }
0x276: {  	v1 =	vld [tilespmem:s6+$0x0];
	_ =	sdelay $0x1  }
.Ltmp41:
0x277: {  	(pc) =	sbr.rel @p0 .LBB2_75-.Ltmp41, $3  }
0x278: {  	_ =	sdelay $0x1  }
0x279: {  	s7 =	sadd.s32 $0x80, s7;
	v0 =	vadd.f32 v0, v1  }
0x27a: {  	s18 =	sand.u32 $0x70, s17;
	s1 =	sand.u32 $0x3C00, s7;
	s17 =	sadd.s32 $0x10, s17  }
0x27b: {  	s5 =	sadd.s32 s1, s13;
	s20 =	sor.u32 s18, s1;
	[tilespmem:s6+$0x0] =	vst v0  }
0x27c: {  	s5 =	sadd.s32 s18, s5;
	v0 =	vld [tilespmem:s20+$0x100]  }
0x27d: {  	v1 =	vld [tilespmem:s5+$0x0];
	_ =	sdelay $0x4  }
0x27e: {  	v0 =	vadd.f32 v0, v1;
	_ =	sdelay $0x1  }
0x27f: {  	[tilespmem:s5+$0x0] =	vst v0  }
.LBB2_77:
0x280: {  	p0 =	slt.s32 s24, s8  }
0x281: {  	p1 =	sge.s32 @!p0 s24, s19  }
0x282: {  	p0 =	por p0, p1  }
.Ltmp42:
0x283: {  	_ = 	snop;
	(pc) =	sbr.rel @p0 .LBB2_81-.Ltmp42, $1  }
0x284: {  	_ =	sdelay $0x3  }
0x285: {  	s1 =	ssub.s32 s24, s8  }
0x286: {  	s1 =	sshrl.u32 s1, $0x3  }
0x287: {  	s1 =	smul.u32 $0xA000, s1;
	_ =	sdelay $0x1  }
0x288: {  	s5 =	simm.s32 $0x0;
	s6 =	rddreg [dreg:$0x12];
	s1 =	sshra.s32 s1, $0x2  }
0x289: {  	s18 =	sand.u32 $0x70, s5;
	s5 =	sand.u32 $0x3C00, s5;
	s13 =	sadd.s32 s1, s6  }
0x28a: {  	s6 =	sadd.s32 s5, s13;
	s5 =	sor.u32 s18, s5  }
0x28b: {  	s6 =	sadd.s32 s18, s6;
	v0 =	vld [tilespmem:s5+$0x180]  }
0x28c: {  	v1 =	vld [tilespmem:s6+$0x0];
	_ =	sdelay $0x4  }
0x28d: {  	s20 =	simm.s32 $0x10;
	s7 =	simm.s32 $0x80;
	v0 =	vadd.f32 v0, v1  }
0x28e: {  	s17 =	simm.s32 $0x20;
	s1 =	sand.u32 $0x3C00, s7;
	s18 =	sand.u32 $0x70, s20  }
.LBB2_79:
0x28f: {  	p0 =	sne.s32 s17, $0x4F0;
	s5 =	sadd.s32 s1, s13;
	s1 =	sor.u32 s18, s1;
	[tilespmem:s6+$0x0] =	vst v0  }
0x290: {  	s6 =	sadd.s32 s18, s5;
	v0 =	vld [tilespmem:s1+$0x180]  }
0x291: {  	v1 =	vld [tilespmem:s6+$0x0];
	_ =	sdelay $0x1  }
.Ltmp43:
0x292: {  	(pc) =	sbr.rel @p0 .LBB2_79-.Ltmp43, $3  }
0x293: {  	_ =	sdelay $0x1  }
0x294: {  	s7 =	sadd.s32 $0x80, s7;
	v0 =	vadd.f32 v0, v1  }
0x295: {  	s18 =	sand.u32 $0x70, s17;
	s1 =	sand.u32 $0x3C00, s7;
	s17 =	sadd.s32 $0x10, s17  }
0x296: {  	s5 =	sadd.s32 s1, s13;
	s20 =	sor.u32 s18, s1;
	[tilespmem:s6+$0x0] =	vst v0  }
0x297: {  	s5 =	sadd.s32 s18, s5;
	v0 =	vld [tilespmem:s20+$0x180]  }
0x298: {  	v1 =	vld [tilespmem:s5+$0x0];
	_ =	sdelay $0x4  }
0x299: {  	v0 =	vadd.f32 v0, v1;
	_ =	sdelay $0x1  }
0x29a: {  	[tilespmem:s5+$0x0] =	vst v0  }
.LBB2_81:
0x29b: {  	p0 =	slt.s32 s25, s8  }
0x29c: {  	p1 =	sge.s32 @!p0 s25, s19  }
0x29d: {  	p0 =	por p0, p1  }
.Ltmp44:
0x29e: {  	_ = 	snop;
	(pc) =	sbr.rel @p0 .LBB2_85-.Ltmp44, $1  }
0x29f: {  	_ =	sdelay $0x3  }
0x2a0: {  	s1 =	ssub.s32 s25, s8  }
0x2a1: {  	s1 =	sshrl.u32 s1, $0x3  }
0x2a2: {  	s1 =	smul.u32 $0xA000, s1;
	_ =	sdelay $0x1  }
0x2a3: {  	s5 =	simm.s32 $0x0;
	s6 =	rddreg [dreg:$0x14];
	s1 =	sshra.s32 s1, $0x2  }
0x2a4: {  	s18 =	sand.u32 $0x70, s5;
	s5 =	sand.u32 $0x3C00, s5;
	s13 =	sadd.s32 s1, s6  }
0x2a5: {  	s6 =	sadd.s32 s5, s13;
	s5 =	sor.u32 s18, s5  }
0x2a6: {  	s6 =	sadd.s32 s18, s6;
	v0 =	vld [tilespmem:s5+$0x200]  }
0x2a7: {  	v1 =	vld [tilespmem:s6+$0x0];
	_ =	sdelay $0x4  }
0x2a8: {  	s20 =	simm.s32 $0x10;
	s7 =	simm.s32 $0x80;
	v0 =	vadd.f32 v0, v1  }
0x2a9: {  	s17 =	simm.s32 $0x20;
	s1 =	sand.u32 $0x3C00, s7;
	s18 =	sand.u32 $0x70, s20  }
.LBB2_83:
0x2aa: {  	p0 =	sne.s32 s17, $0x4F0;
	s5 =	sadd.s32 s1, s13;
	s1 =	sor.u32 s18, s1;
	[tilespmem:s6+$0x0] =	vst v0  }
0x2ab: {  	s6 =	sadd.s32 s18, s5;
	v0 =	vld [tilespmem:s1+$0x200]  }
0x2ac: {  	v1 =	vld [tilespmem:s6+$0x0];
	_ =	sdelay $0x1  }
.Ltmp45:
0x2ad: {  	(pc) =	sbr.rel @p0 .LBB2_83-.Ltmp45, $3  }
0x2ae: {  	_ =	sdelay $0x1  }
0x2af: {  	s7 =	sadd.s32 $0x80, s7;
	v0 =	vadd.f32 v0, v1  }
0x2b0: {  	s18 =	sand.u32 $0x70, s17;
	s1 =	sand.u32 $0x3C00, s7;
	s17 =	sadd.s32 $0x10, s17  }
0x2b1: {  	s5 =	sadd.s32 s1, s13;
	s20 =	sor.u32 s18, s1;
	[tilespmem:s6+$0x0] =	vst v0  }
0x2b2: {  	s5 =	sadd.s32 s18, s5;
	v0 =	vld [tilespmem:s20+$0x200]  }
0x2b3: {  	v1 =	vld [tilespmem:s5+$0x0];
	_ =	sdelay $0x4  }
0x2b4: {  	v0 =	vadd.f32 v0, v1;
	_ =	sdelay $0x1  }
0x2b5: {  	[tilespmem:s5+$0x0] =	vst v0  }
.LBB2_85:
0x2b6: {  	p0 =	slt.s32 s26, s8  }
0x2b7: {  	p1 =	sge.s32 @!p0 s26, s19  }
0x2b8: {  	p0 =	por p0, p1  }
.Ltmp46:
0x2b9: {  	_ = 	snop;
	(pc) =	sbr.rel @p0 .LBB2_89-.Ltmp46, $1  }
0x2ba: {  	_ =	sdelay $0x3  }
0x2bb: {  	s1 =	ssub.s32 s26, s8  }
0x2bc: {  	s1 =	sshrl.u32 s1, $0x3  }
0x2bd: {  	s1 =	smul.u32 $0xA000, s1;
	_ =	sdelay $0x1  }
0x2be: {  	s5 =	simm.s32 $0x0;
	s6 =	rddreg [dreg:$0x16];
	s1 =	sshra.s32 s1, $0x2  }
0x2bf: {  	s18 =	sand.u32 $0x70, s5;
	s5 =	sand.u32 $0x3C00, s5;
	s13 =	sadd.s32 s1, s6  }
0x2c0: {  	s6 =	sadd.s32 s5, s13;
	s5 =	sor.u32 s18, s5  }
0x2c1: {  	s6 =	sadd.s32 s18, s6;
	v0 =	vld [tilespmem:s5+$0x280]  }
0x2c2: {  	v1 =	vld [tilespmem:s6+$0x0];
	_ =	sdelay $0x4  }
0x2c3: {  	s20 =	simm.s32 $0x10;
	s7 =	simm.s32 $0x80;
	v0 =	vadd.f32 v0, v1  }
0x2c4: {  	s17 =	simm.s32 $0x20;
	s1 =	sand.u32 $0x3C00, s7;
	s18 =	sand.u32 $0x70, s20  }
.LBB2_87:
0x2c5: {  	p0 =	sne.s32 s17, $0x4F0;
	s5 =	sadd.s32 s1, s13;
	s1 =	sor.u32 s18, s1;
	[tilespmem:s6+$0x0] =	vst v0  }
0x2c6: {  	s6 =	sadd.s32 s18, s5;
	v0 =	vld [tilespmem:s1+$0x280]  }
0x2c7: {  	v1 =	vld [tilespmem:s6+$0x0];
	_ =	sdelay $0x1  }
.Ltmp47:
0x2c8: {  	(pc) =	sbr.rel @p0 .LBB2_87-.Ltmp47, $3  }
0x2c9: {  	_ =	sdelay $0x1  }
0x2ca: {  	s7 =	sadd.s32 $0x80, s7;
	v0 =	vadd.f32 v0, v1  }
0x2cb: {  	s18 =	sand.u32 $0x70, s17;
	s1 =	sand.u32 $0x3C00, s7;
	s17 =	sadd.s32 $0x10, s17  }
0x2cc: {  	s5 =	sadd.s32 s1, s13;
	s20 =	sor.u32 s18, s1;
	[tilespmem:s6+$0x0] =	vst v0  }
0x2cd: {  	s5 =	sadd.s32 s18, s5;
	v0 =	vld [tilespmem:s20+$0x280]  }
0x2ce: {  	v1 =	vld [tilespmem:s5+$0x0];
	_ =	sdelay $0x4  }
0x2cf: {  	v0 =	vadd.f32 v0, v1;
	_ =	sdelay $0x1  }
0x2d0: {  	[tilespmem:s5+$0x0] =	vst v0  }
.LBB2_89:
0x2d1: {  	p0 =	slt.s32 s28, s8  }
0x2d2: {  	p1 =	sge.s32 @!p0 s28, s19  }
0x2d3: {  	p0 =	por p0, p1  }
.Ltmp48:
0x2d4: {  	_ = 	snop;
	(pc) =	sbr.rel @p0 .LBB2_93-.Ltmp48, $1  }
0x2d5: {  	_ =	sdelay $0x3  }
0x2d6: {  	s1 =	ssub.s32 s28, s8  }
0x2d7: {  	s1 =	sshrl.u32 s1, $0x3  }
0x2d8: {  	s1 =	smul.u32 $0xA000, s1;
	_ =	sdelay $0x1  }
0x2d9: {  	s5 =	simm.s32 $0x0;
	s6 =	rddreg [dreg:$0x18];
	s1 =	sshra.s32 s1, $0x2  }
0x2da: {  	s18 =	sand.u32 $0x70, s5;
	s5 =	sand.u32 $0x3C00, s5;
	s13 =	sadd.s32 s1, s6  }
0x2db: {  	s6 =	sadd.s32 s5, s13;
	s5 =	sor.u32 s18, s5  }
0x2dc: {  	s6 =	sadd.s32 s18, s6;
	v0 =	vld [tilespmem:s5+$0x300]  }
0x2dd: {  	v1 =	vld [tilespmem:s6+$0x0];
	_ =	sdelay $0x4  }
0x2de: {  	s20 =	simm.s32 $0x10;
	s7 =	simm.s32 $0x80;
	v0 =	vadd.f32 v0, v1  }
0x2df: {  	s17 =	simm.s32 $0x20;
	s1 =	sand.u32 $0x3C00, s7;
	s18 =	sand.u32 $0x70, s20  }
.LBB2_91:
0x2e0: {  	p0 =	sne.s32 s17, $0x4F0;
	s5 =	sadd.s32 s1, s13;
	s1 =	sor.u32 s18, s1;
	[tilespmem:s6+$0x0] =	vst v0  }
0x2e1: {  	s6 =	sadd.s32 s18, s5;
	v0 =	vld [tilespmem:s1+$0x300]  }
0x2e2: {  	v1 =	vld [tilespmem:s6+$0x0];
	_ =	sdelay $0x1  }
.Ltmp49:
0x2e3: {  	(pc) =	sbr.rel @p0 .LBB2_91-.Ltmp49, $3  }
0x2e4: {  	_ =	sdelay $0x1  }
0x2e5: {  	s7 =	sadd.s32 $0x80, s7;
	v0 =	vadd.f32 v0, v1  }
0x2e6: {  	s18 =	sand.u32 $0x70, s17;
	s1 =	sand.u32 $0x3C00, s7;
	s17 =	sadd.s32 $0x10, s17  }
0x2e7: {  	s5 =	sadd.s32 s1, s13;
	s20 =	sor.u32 s18, s1;
	[tilespmem:s6+$0x0] =	vst v0  }
0x2e8: {  	s5 =	sadd.s32 s18, s5;
	v0 =	vld [tilespmem:s20+$0x300]  }
0x2e9: {  	v1 =	vld [tilespmem:s5+$0x0];
	_ =	sdelay $0x4  }
0x2ea: {  	v0 =	vadd.f32 v0, v1;
	_ =	sdelay $0x1  }
0x2eb: {  	[tilespmem:s5+$0x0] =	vst v0  }
.LBB2_93:
0x2ec: {  	p0 =	slt.s32 s29, s8  }
0x2ed: {  	p1 =	sge.s32 @!p0 s29, s19  }
0x2ee: {  	p0 =	por p0, p1  }
.Ltmp50:
0x2ef: {  	_ = 	snop;
	(pc) =	sbr.rel @p0 .LBB2_97-.Ltmp50, $1  }
0x2f0: {  	_ =	sdelay $0x3  }
0x2f1: {  	s1 =	ssub.s32 s29, s8  }
0x2f2: {  	s1 =	sshrl.u32 s1, $0x3  }
0x2f3: {  	s1 =	smul.u32 $0xA000, s1;
	_ =	sdelay $0x1  }
0x2f4: {  	s5 =	simm.s32 $0x0;
	s6 =	rddreg [dreg:$0x1a];
	s1 =	sshra.s32 s1, $0x2  }
0x2f5: {  	s18 =	sand.u32 $0x70, s5;
	s5 =	sand.u32 $0x3C00, s5;
	s13 =	sadd.s32 s1, s6  }
0x2f6: {  	s6 =	sadd.s32 s5, s13;
	s5 =	sor.u32 s18, s5  }
0x2f7: {  	s6 =	sadd.s32 s18, s6;
	v0 =	vld [tilespmem:s5+$0x380]  }
0x2f8: {  	v1 =	vld [tilespmem:s6+$0x0];
	_ =	sdelay $0x4  }
0x2f9: {  	s20 =	simm.s32 $0x10;
	s7 =	simm.s32 $0x80;
	v0 =	vadd.f32 v0, v1  }
0x2fa: {  	s17 =	simm.s32 $0x20;
	s1 =	sand.u32 $0x3C00, s7;
	s18 =	sand.u32 $0x70, s20  }
.LBB2_95:
0x2fb: {  	p0 =	sne.s32 s17, $0x4F0;
	s5 =	sadd.s32 s1, s13;
	s1 =	sor.u32 s18, s1;
	[tilespmem:s6+$0x0] =	vst v0  }
0x2fc: {  	s6 =	sadd.s32 s18, s5;
	v0 =	vld [tilespmem:s1+$0x380]  }
0x2fd: {  	v1 =	vld [tilespmem:s6+$0x0];
	_ =	sdelay $0x1  }
.Ltmp51:
0x2fe: {  	(pc) =	sbr.rel @p0 .LBB2_95-.Ltmp51, $3  }
0x2ff: {  	_ =	sdelay $0x1  }
0x300: {  	s7 =	sadd.s32 $0x80, s7;
	v0 =	vadd.f32 v0, v1  }
0x301: {  	s18 =	sand.u32 $0x70, s17;
	s1 =	sand.u32 $0x3C00, s7;
	s17 =	sadd.s32 $0x10, s17  }
0x302: {  	s5 =	sadd.s32 s1, s13;
	s20 =	sor.u32 s18, s1;
	[tilespmem:s6+$0x0] =	vst v0  }
0x303: {  	s5 =	sadd.s32 s18, s5;
	v0 =	vld [tilespmem:s20+$0x380]  }
0x304: {  	v1 =	vld [tilespmem:s5+$0x0];
	_ =	sdelay $0x4  }
0x305: {  	v0 =	vadd.f32 v0, v1;
	_ =	sdelay $0x1  }
0x306: {  	[tilespmem:s5+$0x0] =	vst v0  }
.LBB2_97:
0x307: {  	p0 =	slt.s32 s30, s8  }
0x308: {  	p1 =	sge.s32 @!p0 s30, s19  }
0x309: {  	p0 =	por p0, p1  }
.Ltmp52:
0x30a: {  	_ = 	snop;
	(pc) =	sbr.rel @p0 .LBB2_101-.Ltmp52, $1  }
0x30b: {  	_ =	sdelay $0x3  }
0x30c: {  	s1 =	ssub.s32 s30, s8  }
0x30d: {  	s1 =	sshrl.u32 s1, $0x3  }
0x30e: {  	s5 =	simm.s32 $0x0;
	s1 =	smul.u32 $0xA000, s1  }
0x30f: {  	s6 =	sand.u32 $0x7, s5  }
0x310: {  	s7 =	rddreg [dreg:$0x1c];
	s6 =	sshll.u32 s6, $0x4;
	s1 =	sshra.s32 s1, $0x2  }
0x311: {  	s13 =	sand.u32 $0x3C00, s5;
	s10 =	sadd.s32 $0x0, s6;
	s20 =	sadd.s32 s1, s7  }
0x312: {  	s5 =	sand.u32 $0x70, s5;
	s1 =	sor.u32 $0x380, s10;
	s6 =	sadd.s32 s13, s20  }
0x313: {  	v0 =	vld [tilespmem:s1+$0x80];
	s13 =	sadd.s32 s5, s6  }
0x314: {  	v1 =	vld [tilespmem:s13+$0x0];
	_ =	sdelay $0x2  }
0x315: {  	s6 =	simm.s32 $0x1  }
0x316: {  	s18 =	simm.s32 $0x10;
	s17 =	sand.u32 $0x7, s6  }
0x317: {  	s7 =	simm.s32 $0x80;
	s1 =	sshll.u32 s17, $0x4;
	s17 =	simm.s32 $0x20;
	v0 =	vadd.f32 v0, v1  }
.LBB2_99:
0x318: {  	p0 =	sne.s32 s17, $0x4F0;
	s1 =	sadd.s32 s1, s7;
	s5 =	sand.u32 $0x3C00, s7  }
0x319: {  	s10 =	sand.u32 $0x70, s18;
	s5 =	sadd.s32 s5, s20;
	s1 =	sor.u32 $0x380, s1;
	[tilespmem:s13+$0x0] =	vst v0  }
0x31a: {  	s18 =	smov.u32 s17;
	s13 =	sadd.s32 s10, s5;
	v0 =	vld [tilespmem:s1+$0x80]  }
0x31b: {  	v1 =	vld [tilespmem:s13+$0x0]  }
.Ltmp53:
0x31c: {  	(pc) =	sbr.rel @p0 .LBB2_99-.Ltmp53, $4  }
0x31d: {  	_ = 	snop  }
0x31e: {  	s6 =	sadd.s32 $0x1, s6  }
0x31f: {  	s1 =	sand.u32 $0x7, s6  }
0x320: {  	s17 =	sadd.s32 $0x10, s17;
	s7 =	sadd.s32 $0x80, s7;
	s1 =	sshll.u32 s1, $0x4;
	v0 =	vadd.f32 v0, v1  }
0x321: {  	s1 =	sadd.s32 s1, s7;
	s5 =	sand.u32 $0x3C00, s7  }
0x322: {  	s6 =	sand.u32 $0x70, s18;
	s5 =	sadd.s32 s5, s20;
	s1 =	sor.u32 $0x380, s1;
	[tilespmem:s13+$0x0] =	vst v0  }
0x323: {  	s5 =	sadd.s32 s6, s5;
	v0 =	vld [tilespmem:s1+$0x80]  }
0x324: {  	v1 =	vld [tilespmem:s5+$0x0];
	_ =	sdelay $0x4  }
0x325: {  	v0 =	vadd.f32 v0, v1;
	_ =	sdelay $0x1  }
0x326: {  	s10 =	rddreg [dreg:$0xc];
	[tilespmem:s5+$0x0] =	vst v0  }
.LBB2_101:
0x327: {  	p0 =	slt.s32 s31, s8  }
0x328: {  	p1 =	sge.s32 @!p0 s31, s19  }
0x329: {  	p0 =	por p0, p1  }
.Ltmp54:
0x32a: {  	_ = 	snop;
	(pc) =	sbr.rel @p0 .LBB2_105-.Ltmp54, $1  }
0x32b: {  	_ =	sdelay $0x3  }
0x32c: {  	s1 =	ssub.s32 s31, s8  }
0x32d: {  	s1 =	sshrl.u32 s1, $0x3  }
0x32e: {  	s1 =	smul.u32 $0xA000, s1;
	_ =	sdelay $0x1  }
0x32f: {  	s5 =	simm.s32 $0x0;
	s6 =	rddreg [dreg:$0x1e];
	s1 =	sshra.s32 s1, $0x2  }
0x330: {  	s18 =	sand.u32 $0x70, s5;
	s5 =	sand.u32 $0x3C00, s5;
	s13 =	sadd.s32 s1, s6  }
0x331: {  	s6 =	sadd.s32 s5, s13;
	s5 =	sor.u32 s18, s5  }
0x332: {  	s6 =	sadd.s32 s18, s6;
	v0 =	vld [tilespmem:s5+$0x2880]  }
0x333: {  	v1 =	vld [tilespmem:s6+$0x0];
	_ =	sdelay $0x4  }
0x334: {  	s20 =	simm.s32 $0x10;
	s7 =	simm.s32 $0x80;
	v0 =	vadd.f32 v0, v1  }
0x335: {  	s17 =	simm.s32 $0x20;
	s1 =	sand.u32 $0x3C00, s7;
	s18 =	sand.u32 $0x70, s20  }
.LBB2_103:
0x336: {  	p0 =	sne.s32 s17, $0x4F0;
	s5 =	sadd.s32 s1, s13;
	s1 =	sor.u32 s18, s1;
	[tilespmem:s6+$0x0] =	vst v0  }
0x337: {  	s6 =	sadd.s32 s18, s5;
	v0 =	vld [tilespmem:s1+$0x2880]  }
0x338: {  	v1 =	vld [tilespmem:s6+$0x0];
	_ =	sdelay $0x1  }
.Ltmp55:
0x339: {  	(pc) =	sbr.rel @p0 .LBB2_103-.Ltmp55, $3  }
0x33a: {  	_ =	sdelay $0x1  }
0x33b: {  	s7 =	sadd.s32 $0x80, s7;
	v0 =	vadd.f32 v0, v1  }
0x33c: {  	s18 =	sand.u32 $0x70, s17;
	s1 =	sand.u32 $0x3C00, s7;
	s17 =	sadd.s32 $0x10, s17  }
0x33d: {  	s5 =	sadd.s32 s1, s13;
	s20 =	sor.u32 s18, s1;
	[tilespmem:s6+$0x0] =	vst v0  }
0x33e: {  	s5 =	sadd.s32 s18, s5;
	v0 =	vld [tilespmem:s20+$0x2880]  }
0x33f: {  	v1 =	vld [tilespmem:s5+$0x0];
	_ =	sdelay $0x4  }
0x340: {  	v0 =	vadd.f32 v0, v1;
	_ =	sdelay $0x1  }
0x341: {  	[tilespmem:s5+$0x0] =	vst v0  }
.LBB2_105:
0x342: {  	p0 =	slt.s32 s3, s8  }
0x343: {  	p1 =	sge.s32 @!p0 s3, s19  }
0x344: {  	p0 =	por p0, p1  }
.Ltmp56:
0x345: {  	_ = 	snop;
	(pc) =	sbr.rel @p0 .LBB2_109-.Ltmp56, $1  }
0x346: {  	_ =	sdelay $0x3  }
0x347: {  	s1 =	ssub.s32 s3, s8  }
0x348: {  	s1 =	sshrl.u32 s1, $0x3  }
0x349: {  	s6 =	sld [smem:$0x7F1];
	s1 =	smul.u32 $0xA000, s1  }
0x34a: {  	_ = 	snop  }
0x34b: {  	s5 =	simm.s32 $0x0;
	s1 =	sshra.s32 s1, $0x2  }
0x34c: {  	s18 =	sand.u32 $0x70, s5;
	s5 =	sand.u32 $0x3C00, s5;
	s13 =	sadd.s32 s1, s6  }
0x34d: {  	s6 =	sadd.s32 s5, s13;
	s5 =	sor.u32 s18, s5  }
0x34e: {  	s6 =	sadd.s32 s18, s6;
	v0 =	vld [tilespmem:s5+$0x2900]  }
0x34f: {  	v1 =	vld [tilespmem:s6+$0x0];
	_ =	sdelay $0x4  }
0x350: {  	s20 =	simm.s32 $0x10;
	s7 =	simm.s32 $0x80;
	v0 =	vadd.f32 v0, v1  }
0x351: {  	s17 =	simm.s32 $0x20;
	s1 =	sand.u32 $0x3C00, s7;
	s18 =	sand.u32 $0x70, s20  }
.LBB2_107:
0x352: {  	p0 =	sne.s32 s17, $0x4F0;
	s5 =	sadd.s32 s1, s13;
	s1 =	sor.u32 s18, s1;
	[tilespmem:s6+$0x0] =	vst v0  }
0x353: {  	s6 =	sadd.s32 s18, s5;
	v0 =	vld [tilespmem:s1+$0x2900]  }
0x354: {  	v1 =	vld [tilespmem:s6+$0x0];
	_ =	sdelay $0x1  }
.Ltmp57:
0x355: {  	(pc) =	sbr.rel @p0 .LBB2_107-.Ltmp57, $3  }
0x356: {  	_ =	sdelay $0x1  }
0x357: {  	s7 =	sadd.s32 $0x80, s7;
	v0 =	vadd.f32 v0, v1  }
0x358: {  	s18 =	sand.u32 $0x70, s17;
	s1 =	sand.u32 $0x3C00, s7;
	s17 =	sadd.s32 $0x10, s17  }
0x359: {  	s5 =	sadd.s32 s1, s13;
	s20 =	sor.u32 s18, s1;
	[tilespmem:s6+$0x0] =	vst v0  }
0x35a: {  	s5 =	sadd.s32 s18, s5;
	v0 =	vld [tilespmem:s20+$0x2900]  }
0x35b: {  	v1 =	vld [tilespmem:s5+$0x0];
	_ =	sdelay $0x4  }
0x35c: {  	v0 =	vadd.f32 v0, v1;
	_ =	sdelay $0x1  }
0x35d: {  	[tilespmem:s5+$0x0] =	vst v0  }
.LBB2_109:
0x35e: {  	p0 =	slt.s32 s0, s8  }
0x35f: {  	p1 =	sge.s32 @!p0 s0, s19  }
0x360: {  	p0 =	por p0, p1  }
.Ltmp58:
0x361: {  	_ = 	snop;
	(pc) =	sbr.rel @p0 .LBB2_113-.Ltmp58, $1  }
0x362: {  	_ =	sdelay $0x3  }
0x363: {  	s1 =	ssub.s32 s0, s8  }
0x364: {  	s1 =	sshrl.u32 s1, $0x3  }
0x365: {  	s6 =	sld [smem:$0x7F3];
	s1 =	smul.u32 $0xA000, s1  }
0x366: {  	_ = 	snop  }
0x367: {  	s5 =	simm.s32 $0x0;
	s1 =	sshra.s32 s1, $0x2  }
0x368: {  	s18 =	sand.u32 $0x70, s5;
	s5 =	sand.u32 $0x3C00, s5;
	s13 =	sadd.s32 s1, s6  }
0x369: {  	s6 =	sadd.s32 s5, s13;
	s5 =	sor.u32 s18, s5  }
0x36a: {  	s6 =	sadd.s32 s18, s6;
	v0 =	vld [tilespmem:s5+$0x2980]  }
0x36b: {  	v1 =	vld [tilespmem:s6+$0x0];
	_ =	sdelay $0x4  }
0x36c: {  	s20 =	simm.s32 $0x10;
	s7 =	simm.s32 $0x80;
	v0 =	vadd.f32 v0, v1  }
0x36d: {  	s17 =	simm.s32 $0x20;
	s1 =	sand.u32 $0x3C00, s7;
	s18 =	sand.u32 $0x70, s20  }
.LBB2_111:
0x36e: {  	p0 =	sne.s32 s17, $0x4F0;
	s5 =	sadd.s32 s1, s13;
	s1 =	sor.u32 s18, s1;
	[tilespmem:s6+$0x0] =	vst v0  }
0x36f: {  	s6 =	sadd.s32 s18, s5;
	v0 =	vld [tilespmem:s1+$0x2980]  }
0x370: {  	v1 =	vld [tilespmem:s6+$0x0];
	_ =	sdelay $0x1  }
.Ltmp59:
0x371: {  	(pc) =	sbr.rel @p0 .LBB2_111-.Ltmp59, $3  }
0x372: {  	_ =	sdelay $0x1  }
0x373: {  	s7 =	sadd.s32 $0x80, s7;
	v0 =	vadd.f32 v0, v1  }
0x374: {  	s18 =	sand.u32 $0x70, s17;
	s1 =	sand.u32 $0x3C00, s7;
	s17 =	sadd.s32 $0x10, s17  }
0x375: {  	s5 =	sadd.s32 s1, s13;
	s20 =	sor.u32 s18, s1;
	[tilespmem:s6+$0x0] =	vst v0  }
0x376: {  	s5 =	sadd.s32 s18, s5;
	v0 =	vld [tilespmem:s20+$0x2980]  }
0x377: {  	v1 =	vld [tilespmem:s5+$0x0];
	_ =	sdelay $0x4  }
0x378: {  	v0 =	vadd.f32 v0, v1;
	_ =	sdelay $0x1  }
0x379: {  	[tilespmem:s5+$0x0] =	vst v0  }
.LBB2_113:
0x37a: {  	p0 =	slt.s32 s2, s8  }
0x37b: {  	p1 =	sge.s32 @!p0 s2, s19  }
0x37c: {  	p0 =	por p0, p1  }
.Ltmp60:
0x37d: {  	_ = 	snop;
	(pc) =	sbr.rel @p0 .LBB2_117-.Ltmp60, $1  }
0x37e: {  	_ =	sdelay $0x3  }
0x37f: {  	s1 =	ssub.s32 s2, s8  }
0x380: {  	s1 =	sshrl.u32 s1, $0x3  }
0x381: {  	s6 =	sld [smem:$0x7F5];
	s1 =	smul.u32 $0xA000, s1  }
0x382: {  	_ = 	snop  }
0x383: {  	s5 =	simm.s32 $0x0;
	s1 =	sshra.s32 s1, $0x2  }
0x384: {  	s18 =	sand.u32 $0x70, s5;
	s5 =	sand.u32 $0x3C00, s5;
	s13 =	sadd.s32 s1, s6  }
0x385: {  	s6 =	sadd.s32 s5, s13;
	s5 =	sor.u32 s18, s5  }
0x386: {  	s6 =	sadd.s32 s18, s6;
	v0 =	vld [tilespmem:s5+$0x2A00]  }
0x387: {  	v1 =	vld [tilespmem:s6+$0x0];
	_ =	sdelay $0x4  }
0x388: {  	s20 =	simm.s32 $0x10;
	s7 =	simm.s32 $0x80;
	v0 =	vadd.f32 v0, v1  }
0x389: {  	s17 =	simm.s32 $0x20;
	s1 =	sand.u32 $0x3C00, s7;
	s18 =	sand.u32 $0x70, s20  }
.LBB2_115:
0x38a: {  	p0 =	sne.s32 s17, $0x4F0;
	s5 =	sadd.s32 s1, s13;
	s1 =	sor.u32 s18, s1;
	[tilespmem:s6+$0x0] =	vst v0  }
0x38b: {  	s6 =	sadd.s32 s18, s5;
	v0 =	vld [tilespmem:s1+$0x2A00]  }
0x38c: {  	v1 =	vld [tilespmem:s6+$0x0];
	_ =	sdelay $0x1  }
.Ltmp61:
0x38d: {  	(pc) =	sbr.rel @p0 .LBB2_115-.Ltmp61, $3  }
0x38e: {  	_ =	sdelay $0x1  }
0x38f: {  	s7 =	sadd.s32 $0x80, s7;
	v0 =	vadd.f32 v0, v1  }
0x390: {  	s18 =	sand.u32 $0x70, s17;
	s1 =	sand.u32 $0x3C00, s7;
	s17 =	sadd.s32 $0x10, s17  }
0x391: {  	s5 =	sadd.s32 s1, s13;
	s20 =	sor.u32 s18, s1;
	[tilespmem:s6+$0x0] =	vst v0  }
0x392: {  	s5 =	sadd.s32 s18, s5;
	v0 =	vld [tilespmem:s20+$0x2A00]  }
0x393: {  	v1 =	vld [tilespmem:s5+$0x0];
	_ =	sdelay $0x4  }
0x394: {  	v0 =	vadd.f32 v0, v1;
	_ =	sdelay $0x1  }
0x395: {  	[tilespmem:s5+$0x0] =	vst v0  }
.LBB2_117:
0x396: {  	p0 =	slt.s32 s4, s8  }
0x397: {  	p1 =	sge.s32 @!p0 s4, s19  }
0x398: {  	p0 =	por p0, p1  }
.Ltmp62:
0x399: {  	_ = 	snop;
	(pc) =	sbr.rel @p0 .LBB2_121-.Ltmp62, $1  }
0x39a: {  	_ =	sdelay $0x3  }
0x39b: {  	s1 =	ssub.s32 s4, s8  }
0x39c: {  	s1 =	sshrl.u32 s1, $0x3  }
0x39d: {  	s6 =	sld [smem:$0x7F7];
	s1 =	smul.u32 $0xA000, s1  }
0x39e: {  	_ = 	snop  }
0x39f: {  	s5 =	simm.s32 $0x0;
	s1 =	sshra.s32 s1, $0x2  }
0x3a0: {  	s18 =	sand.u32 $0x70, s5;
	s5 =	sand.u32 $0x3C00, s5;
	s13 =	sadd.s32 s1, s6  }
0x3a1: {  	s6 =	sadd.s32 s5, s13;
	s5 =	sor.u32 s18, s5  }
0x3a2: {  	s6 =	sadd.s32 s18, s6;
	v0 =	vld [tilespmem:s5+$0x2A80]  }
0x3a3: {  	v1 =	vld [tilespmem:s6+$0x0];
	_ =	sdelay $0x4  }
0x3a4: {  	s20 =	simm.s32 $0x10;
	s7 =	simm.s32 $0x80;
	v0 =	vadd.f32 v0, v1  }
0x3a5: {  	s17 =	simm.s32 $0x20;
	s1 =	sand.u32 $0x3C00, s7;
	s18 =	sand.u32 $0x70, s20  }
.LBB2_119:
0x3a6: {  	p0 =	sne.s32 s17, $0x4F0;
	s5 =	sadd.s32 s1, s13;
	s1 =	sor.u32 s18, s1;
	[tilespmem:s6+$0x0] =	vst v0  }
0x3a7: {  	s6 =	sadd.s32 s18, s5;
	v0 =	vld [tilespmem:s1+$0x2A80]  }
0x3a8: {  	v1 =	vld [tilespmem:s6+$0x0];
	_ =	sdelay $0x1  }
.Ltmp63:
0x3a9: {  	(pc) =	sbr.rel @p0 .LBB2_119-.Ltmp63, $3  }
0x3aa: {  	_ =	sdelay $0x1  }
0x3ab: {  	s7 =	sadd.s32 $0x80, s7;
	v0 =	vadd.f32 v0, v1  }
0x3ac: {  	s18 =	sand.u32 $0x70, s17;
	s1 =	sand.u32 $0x3C00, s7;
	s17 =	sadd.s32 $0x10, s17  }
0x3ad: {  	s5 =	sadd.s32 s1, s13;
	s20 =	sor.u32 s18, s1;
	[tilespmem:s6+$0x0] =	vst v0  }
0x3ae: {  	s5 =	sadd.s32 s18, s5;
	v0 =	vld [tilespmem:s20+$0x2A80]  }
0x3af: {  	v1 =	vld [tilespmem:s5+$0x0];
	_ =	sdelay $0x4  }
0x3b0: {  	v0 =	vadd.f32 v0, v1;
	_ =	sdelay $0x1  }
0x3b1: {  	[tilespmem:s5+$0x0] =	vst v0  }
.LBB2_121:
0x3b2: {  	p0 =	slt.s32 s14, s8  }
0x3b3: {  	p1 =	sge.s32 @!p0 s14, s19  }
0x3b4: {  	p0 =	por p0, p1  }
.Ltmp64:
0x3b5: {  	_ = 	snop;
	(pc) =	sbr.rel @p0 .LBB2_125-.Ltmp64, $1  }
0x3b6: {  	_ =	sdelay $0x3  }
0x3b7: {  	s1 =	ssub.s32 s14, s8  }
0x3b8: {  	s1 =	sshrl.u32 s1, $0x3  }
0x3b9: {  	s6 =	sld [smem:$0x7F9];
	s1 =	smul.u32 $0xA000, s1  }
0x3ba: {  	_ = 	snop  }
0x3bb: {  	s5 =	simm.s32 $0x0;
	s1 =	sshra.s32 s1, $0x2  }
0x3bc: {  	s18 =	sand.u32 $0x70, s5;
	s5 =	sand.u32 $0x3C00, s5;
	s13 =	sadd.s32 s1, s6  }
0x3bd: {  	s6 =	sadd.s32 s5, s13;
	s5 =	sor.u32 s18, s5  }
0x3be: {  	s6 =	sadd.s32 s18, s6;
	v0 =	vld [tilespmem:s5+$0x2B00]  }
0x3bf: {  	v1 =	vld [tilespmem:s6+$0x0];
	_ =	sdelay $0x4  }
0x3c0: {  	s20 =	simm.s32 $0x10;
	s7 =	simm.s32 $0x80;
	v0 =	vadd.f32 v0, v1  }
0x3c1: {  	s17 =	simm.s32 $0x20;
	s1 =	sand.u32 $0x3C00, s7;
	s18 =	sand.u32 $0x70, s20  }
.LBB2_123:
0x3c2: {  	p0 =	sne.s32 s17, $0x4F0;
	s5 =	sadd.s32 s1, s13;
	s1 =	sor.u32 s18, s1;
	[tilespmem:s6+$0x0] =	vst v0  }
0x3c3: {  	s6 =	sadd.s32 s18, s5;
	v0 =	vld [tilespmem:s1+$0x2B00]  }
0x3c4: {  	v1 =	vld [tilespmem:s6+$0x0];
	_ =	sdelay $0x1  }
.Ltmp65:
0x3c5: {  	(pc) =	sbr.rel @p0 .LBB2_123-.Ltmp65, $3  }
0x3c6: {  	_ =	sdelay $0x1  }
0x3c7: {  	s7 =	sadd.s32 $0x80, s7;
	v0 =	vadd.f32 v0, v1  }
0x3c8: {  	s18 =	sand.u32 $0x70, s17;
	s1 =	sand.u32 $0x3C00, s7;
	s17 =	sadd.s32 $0x10, s17  }
0x3c9: {  	s5 =	sadd.s32 s1, s13;
	s20 =	sor.u32 s18, s1;
	[tilespmem:s6+$0x0] =	vst v0  }
0x3ca: {  	s5 =	sadd.s32 s18, s5;
	v0 =	vld [tilespmem:s20+$0x2B00]  }
0x3cb: {  	v1 =	vld [tilespmem:s5+$0x0];
	_ =	sdelay $0x4  }
0x3cc: {  	v0 =	vadd.f32 v0, v1;
	_ =	sdelay $0x1  }
0x3cd: {  	[tilespmem:s5+$0x0] =	vst v0  }
.LBB2_125:
0x3ce: {  	p0 =	slt.s32 s9, s8  }
0x3cf: {  	p1 =	sge.s32 @!p0 s9, s19  }
0x3d0: {  	p0 =	por p0, p1  }
.Ltmp66:
0x3d1: {  	_ = 	snop;
	(pc) =	sbr.rel @p0 .LBB2_129-.Ltmp66, $1  }
0x3d2: {  	_ =	sdelay $0x3  }
0x3d3: {  	s1 =	ssub.s32 s9, s8  }
0x3d4: {  	s1 =	sshrl.u32 s1, $0x3  }
0x3d5: {  	s6 =	sld [smem:$0x7FB];
	s1 =	smul.u32 $0xA000, s1  }
0x3d6: {  	_ = 	snop  }
0x3d7: {  	s5 =	simm.s32 $0x0;
	s1 =	sshra.s32 s1, $0x2  }
0x3d8: {  	s18 =	sand.u32 $0x70, s5;
	s5 =	sand.u32 $0x3C00, s5;
	s13 =	sadd.s32 s1, s6  }
0x3d9: {  	s6 =	sadd.s32 s5, s13;
	s5 =	sor.u32 s18, s5  }
0x3da: {  	s6 =	sadd.s32 s18, s6;
	v0 =	vld [tilespmem:s5+$0x2B80]  }
0x3db: {  	v1 =	vld [tilespmem:s6+$0x0];
	_ =	sdelay $0x4  }
0x3dc: {  	s20 =	simm.s32 $0x10;
	s7 =	simm.s32 $0x80;
	v0 =	vadd.f32 v0, v1  }
0x3dd: {  	s17 =	simm.s32 $0x20;
	s1 =	sand.u32 $0x3C00, s7;
	s18 =	sand.u32 $0x70, s20  }
.LBB2_127:
0x3de: {  	p0 =	sne.s32 s17, $0x4F0;
	s5 =	sadd.s32 s1, s13;
	s1 =	sor.u32 s18, s1;
	[tilespmem:s6+$0x0] =	vst v0  }
0x3df: {  	s6 =	sadd.s32 s18, s5;
	v0 =	vld [tilespmem:s1+$0x2B80]  }
0x3e0: {  	v1 =	vld [tilespmem:s6+$0x0];
	_ =	sdelay $0x1  }
.Ltmp67:
0x3e1: {  	(pc) =	sbr.rel @p0 .LBB2_127-.Ltmp67, $3  }
0x3e2: {  	_ =	sdelay $0x1  }
0x3e3: {  	s7 =	sadd.s32 $0x80, s7;
	v0 =	vadd.f32 v0, v1  }
0x3e4: {  	s18 =	sand.u32 $0x70, s17;
	s1 =	sand.u32 $0x3C00, s7;
	s17 =	sadd.s32 $0x10, s17  }
0x3e5: {  	s5 =	sadd.s32 s1, s13;
	s20 =	sor.u32 s18, s1;
	[tilespmem:s6+$0x0] =	vst v0  }
0x3e6: {  	s5 =	sadd.s32 s18, s5;
	v0 =	vld [tilespmem:s20+$0x2B80]  }
0x3e7: {  	v1 =	vld [tilespmem:s5+$0x0];
	_ =	sdelay $0x4  }
0x3e8: {  	v0 =	vadd.f32 v0, v1;
	_ =	sdelay $0x1  }
0x3e9: {  	[tilespmem:s5+$0x0] =	vst v0  }
.LBB2_129:
0x3ea: {  	p0 =	slt.s32 s12, s8  }
0x3eb: {  	p1 =	sge.s32 @!p0 s12, s19  }
0x3ec: {  	p0 =	por p0, p1  }
.Ltmp68:
0x3ed: {  	_ = 	snop;
	(pc) =	sbr.rel @p0 .LBB2_133-.Ltmp68, $1  }
0x3ee: {  	_ =	sdelay $0x3  }
0x3ef: {  	s1 =	ssub.s32 s12, s8  }
0x3f0: {  	s1 =	sshrl.u32 s1, $0x3  }
0x3f1: {  	s6 =	sld [smem:$0x7FD];
	s1 =	smul.u32 $0xA000, s1  }
0x3f2: {  	_ = 	snop  }
0x3f3: {  	s5 =	simm.s32 $0x0;
	s1 =	sshra.s32 s1, $0x2  }
0x3f4: {  	s19 =	sand.u32 $0x70, s5;
	s5 =	sand.u32 $0x3C00, s5;
	s8 =	sadd.s32 s1, s6  }
0x3f5: {  	s6 =	sadd.s32 s5, s8;
	s5 =	sor.u32 s19, s5  }
0x3f6: {  	s6 =	sadd.s32 s19, s6;
	v0 =	vld [tilespmem:s5+$0x2C00]  }
0x3f7: {  	v1 =	vld [tilespmem:s6+$0x0];
	_ =	sdelay $0x4  }
0x3f8: {  	s20 =	simm.s32 $0x10;
	s7 =	simm.s32 $0x80;
	v0 =	vadd.f32 v0, v1  }
0x3f9: {  	s13 =	simm.s32 $0x20;
	s17 =	sand.u32 $0x70, s20;
	s1 =	sand.u32 $0x3C00, s7  }
.LBB2_131:
0x3fa: {  	p0 =	sne.s32 s13, $0x4F0;
	s5 =	sadd.s32 s1, s8;
	s1 =	sor.u32 s17, s1;
	[tilespmem:s6+$0x0] =	vst v0  }
0x3fb: {  	s6 =	sadd.s32 s17, s5;
	v0 =	vld [tilespmem:s1+$0x2C00]  }
0x3fc: {  	v1 =	vld [tilespmem:s6+$0x0];
	_ =	sdelay $0x1  }
.Ltmp69:
0x3fd: {  	(pc) =	sbr.rel @p0 .LBB2_131-.Ltmp69, $3  }
0x3fe: {  	_ =	sdelay $0x1  }
0x3ff: {  	s7 =	sadd.s32 $0x80, s7;
	v0 =	vadd.f32 v0, v1  }
0x400: {  	s17 =	sand.u32 $0x70, s13;
	s1 =	sand.u32 $0x3C00, s7;
	s13 =	sadd.s32 $0x10, s13  }
0x401: {  	s5 =	sadd.s32 s1, s8;
	s20 =	sor.u32 s17, s1;
	[tilespmem:s6+$0x0] =	vst v0  }
0x402: {  	s5 =	sadd.s32 s17, s5;
	v0 =	vld [tilespmem:s20+$0x2C00]  }
0x403: {  	v1 =	vld [tilespmem:s5+$0x0];
	_ =	sdelay $0x2  }
.Ltmp70:
0x404: {  	_ = 	snop;
	(pc) =	sbr.rel .LBB2_133-.Ltmp70, $3  }
0x405: {  	_ = 	snop  }
0x406: {  	v0 =	vadd.f32 v0, v1;
	_ =	sdelay $0x1  }
0x407: {  	[tilespmem:s5+$0x0] =	vst v0  }
.LBB2_136:
0x408: {  	_ =	sfence.sel $0x180000  }
0x409: {  	[bflag:$0x0] =	sbarrier.arrive $0xFFFF  }
0x40a: {  	_ =	strace $0x90000047  }
0x40b: {  	s0 =	stileid.u32;
	[bflag:$0x2] =	sbarrier.arrive $0xFFFF  }
0x40c: {  	p0 =	sne.s32 s0, $0x0;
	s0 =	rddreg [dreg:$0x4]  }
0x40d: {  	s0 =	sadd.s32 @!p0 $0x100000, s0  }
0x40e: {  	[sflag:s0] =	ssyncadd.tile.s32 @!p0 $0x1;
	_ =	shalt  }
.Lfunc_end2:
_tile_overlayer_lowered:
.L_overlay_start_2:
0x40f: {  	(tag) =	ssettag $0x2  }
0x410: {  	s0 =	rddreg [dreg:$0x0];
	s2 =	stileid.u32  }
0x411: {  	s1 =	rddreg [dreg:$0x1];
	p0 =	sne.s32 s2, $0x0  }
0x412: {  	s3 =	rddreg [dreg:$0x2];
	[bflag:$0x3] =	sbarrier.arrive $0xFFFF;
	s2 =	simm.s32 @!p0 $0x1C05  }
0x413: {  	[timem:s3], [sflag:s2] =	dma.local @!p0 [hbm:s0], s1  }
0x414: {  	s0 =	simm.s32 @!p0 $0x5  }
0x415: {  	_ =	swait.ge @!p0 [sflag:s0], s1  }
0x416: {  	s1 =	ssub.s32 @!p0 $0x0, s1;
	[sflag:s0] =	ssyncset.done @!p0 $0x0  }
0x417: {  	[sflag:s0] =	ssyncadd.s32 @!p0 s1  }
0x418: {  	[bflag:$0x3] =	sbarrier.arrive $0xFFFF  }
0x419: {  	_ =	shalt  }

</sc_bundles>
